<compile_context>
chip_gen: v7x
topology: tpu7x:2x2x1
jax: 0.10.2.dev20260603
libtpu: 0.0.44.dev20260713+nightly
codegen_flags: <defaults>
</compile_context>

<pallas_src>
import functools

import jax
import jax.numpy as jnp
from jax import lax
from jax.experimental import pallas as pl
from jax.experimental.pallas import tpu as pltpu
from jax.experimental.pallas import tpu_sc as plsc

_NUM_CORES = 2
_NUM_SUBCORES = 16
_NUM_WORKERS = _NUM_CORES * _NUM_SUBCORES
_LANES = 16


@functools.cache
def _build_gather(rows: int, cols: int, vocab: int):
    stripe = cols // _NUM_WORKERS
    pad = lambda x, m: -(-x // m) * m
    pad8 = lambda x: pad(x, 8)
    slice_w = pad8(-(-vocab // _NUM_SUBCORES))
    last_w = vocab - slice_w * (_NUM_SUBCORES - 1)
    rpc = rows
    while rpc > 1 and (
        rows % rpc
        or rpc % 8
        or slice_w + 4 * pad8(rpc) * pad(stripe, 128) > 126976
    ):
        rpc -= 1
    n_chunks = rows // rpc

    mesh = plsc.VectorSubcoreMesh(core_axis_name="c", subcore_axis_name="s")

    @functools.partial(
        pl.kernel,
        out_type=jax.ShapeDtypeStruct((rows, cols), jnp.float32),
        mesh=mesh,
        compiler_params=pltpu.CompilerParams(needs_layout_passes=False),
        scratch_types=[
            pltpu.VMEM((slice_w,), jnp.float32),
            pltpu.VMEM_SHARED((vocab,), jnp.float32),
            pltpu.VMEM((2, rpc, stripe), jnp.int32),
            pltpu.VMEM((2, rpc, stripe), jnp.float32),
            pltpu.SemaphoreType.DMA,
            pltpu.SemaphoreType.DMA,
            pltpu.SemaphoreType.DMA,
            pltpu.SemaphoreType.DMA,
            pltpu.SemaphoreType.DMA,
            pltpu.SemaphoreType.DMA,
        ],
    )
    def gather_kernel(
        idx_hbm, table_hbm, out_hbm, bounce_v, table_sh, idx_v, out_v,
        sem_t, sem_g, sem_i0, sem_i1, sem_o0, sem_o1,
    ):
        sem_i = (sem_i0, sem_i1)
        sem_o = (sem_o0, sem_o1)
        sid = lax.axis_index("s")
        wid = sid * _NUM_CORES + lax.axis_index("c")
        col0 = wid * stripe

        in_cps = [None, None]
        out_cps = [None, None]
        for c in range(min(2, n_chunks)):
            in_cps[c] = pltpu.async_copy(
                idx_hbm.at[pl.ds(c * rpc, rpc), pl.ds(col0, stripe)],
                idx_v.at[c],
                sem_i[c],
            )

        for k in range(_NUM_SUBCORES):
            base = k * slice_w
            width = slice_w if k < _NUM_SUBCORES - 1 else last_w

            @pl.when(sid == k)
            def _(base=base, width=width):
                pltpu.async_copy(
                    table_hbm.at[pl.ds(base, width)],
                    bounce_v.at[pl.ds(0, width)],
                    sem_t,
                ).wait()
                pltpu.async_copy(
                    bounce_v.at[pl.ds(0, width)],
                    table_sh.at[pl.ds(base, width)],
                    sem_t,
                ).wait()

        plsc.subcore_barrier()

        for c in range(n_chunks):
            buf = c % 2
            in_cps[buf].wait()
            if out_cps[buf] is not None:
                out_cps[buf].wait()

            def issue_row(r):
                pltpu.async_copy(
                    table_sh.at[idx_v.at[buf, r]],
                    out_v.at[buf, r],
                    sem_g,
                )

            plsc.parallel_loop(0, rpc, 1, unroll=4)(issue_row)
            pltpu.make_async_copy(
                out_hbm.at[pl.ds(c * rpc, rpc), pl.ds(col0, stripe)],
                out_v.at[buf],
                sem_g,
            ).wait()

            out_cps[buf] = pltpu.async_copy(
                out_v.at[buf],
                out_hbm.at[pl.ds(c * rpc, rpc), pl.ds(col0, stripe)],
                sem_o[buf],
            )
            if c + 2 < n_chunks:
                in_cps[buf] = pltpu.async_copy(
                    idx_hbm.at[pl.ds((c + 2) * rpc, rpc), pl.ds(col0, stripe)],
                    idx_v.at[buf],
                    sem_i[buf],
                )
        for cp in out_cps:
            if cp is not None:
                cp.wait()

    return gather_kernel


def kernel(tok_iter, vocab_table):
    b, h = tok_iter.shape
    out_t = _build_gather(h, b, vocab_table.shape[0])(
        tok_iter.T, vocab_table
    )
    return out_t.T

# --- scband reference (transcript-rebuilt; emitter-appended) ---
"""Pipeline reference for scband-vocab-transform-2439541424375 (READ-ONLY COPY).

The authoritative reference and input builder live on the scoring server;
editing this copy changes nothing except your own understanding.
"""

import jax, jax.numpy as jnp
import numpy as np

VOCAB = 100000
BATCH = 4096
HIST = 200

def setup_inputs(seed: int = 0) -> dict:
    key = jax.random.key(seed)
    k1, k2 = jax.random.split(key)
    # token ids for a batch of token sequences (tok_iter)
    tok_iter = jax.random.randint(k1, (BATCH, HIST), 0, VOCAB, dtype=jnp.int32)
    # the 'vocab' mapping: token id -> transformed id. Materialized as a lookup
    # table of size VOCAB (a permutation, stored as float32 so it is a plain
    # dense lookup table in jax).
    vocab_table = jax.random.permutation(k2, VOCAB).astype(jnp.float32)
    return {"tok_iter": tok_iter, "vocab_table": vocab_table}

def reference(tok_iter, vocab_table):
    # Original: [F.vocab_transform(self.vocab, tok) for tok in tok_iter]
    # i.e. look up every token of every sequence in the vocab mapping.
    # Vectorized: a gather over the vocab table, one row of output per sequence.
    return jnp.take(vocab_table, tok_iter, axis=0)

if __name__ == "__main__":
    import jax
    _d = setup_inputs()
    print(jax.jit(kernel)(*tuple(_d.values())))

</pallas_src>

<mosaic_0001>
#map = affine_map<(d0, d1) -> (0, 0)>
#map1 = affine_map<(d0, d1) -> (0)>
module attributes {stable_mosaic.version = 14 : i64} {
  func.func @gather_kernel(%arg0: i32, %arg1: i32, %arg2: memref<200x4096xi32, #tpu.memory_space<hbm>>, %arg3: memref<100000xf32, #tpu.memory_space<hbm>>, %arg4: memref<200x4096xf32, #tpu.memory_space<hbm>>, %arg5: memref<6256xf32, #tpu.memory_space<vmem>>, %arg6: memref<100000xf32, #tpu.memory_space<vmem_shared>>, %arg7: memref<2x200x128xi32, #tpu.memory_space<vmem>>, %arg8: memref<2x200x128xf32, #tpu.memory_space<vmem>>, %arg9: memref<!tpu.dma_semaphore, #tpu.memory_space<semaphore_mem>>, %arg10: memref<!tpu.dma_semaphore, #tpu.memory_space<semaphore_mem>>, %arg11: memref<!tpu.dma_semaphore, #tpu.memory_space<semaphore_mem>>, %arg12: memref<!tpu.dma_semaphore, #tpu.memory_space<semaphore_mem>>, %arg13: memref<!tpu.dma_semaphore, #tpu.memory_space<semaphore_mem>>, %arg14: memref<!tpu.dma_semaphore, #tpu.memory_space<semaphore_mem>>) attributes {dimension_semantics = [#tpu.dimension_semantics<core_parallel>, #tpu.dimension_semantics<subcore_parallel>], iteration_bounds = array<i64: 2, 16>, scalar_prefetch = 0 : i64, scratch_operands = 10 : i64, tpu.core_type = #tpu.core_type<sc_vector_subcore>, window_params = [{transform_indices = #map}, {transform_indices = #map1}, {transform_indices = #map}]} {
    %mul3A = arith.constant 2 : i32
    %mul3A_0 = arith.muli %arg1, %mul3A : i32
    %add3A = arith.addi %mul3A_0, %arg0 : i32
    %mul3A_1 = arith.constant 128 : i32
    %mul3A_2 = arith.muli %add3A, %mul3A_1 : i32
    %dma_start3A = arith.constant 0 : i32
    %dma_start3A_3 = arith.constant 0 : i32
    %dma_start3A_4 = arith.constant 0 : i32
    %dma_start3A_5 = tpu.memref_slice %arg7[%dma_start3A, %dma_start3A_3, %dma_start3A_4] : memref<2x200x128xi32, #tpu.memory_space<vmem>> -> memref<1x200x128xi32, #tpu.memory_space<vmem>>
    %dma_start3A_6 = tpu.memref_squeeze %dma_start3A_5 : memref<1x200x128xi32, #tpu.memory_space<vmem>> -> memref<200x128xi32, #tpu.memory_space<vmem>>
    %dma_start3A_7 = arith.constant 0 : i32
    %dma_start3A_8 = tpu.memref_slice %arg2[%dma_start3A_7, %mul3A_2] : memref<200x4096xi32, #tpu.memory_space<hbm>> -> memref<200x128xi32, #tpu.memory_space<hbm>>
    %dma_start3A_9 = arith.constant 0 : i32
    %dma_start3A_10 = arith.constant 0 : i32
    %dma_start3A_11 = tpu.memref_slice %arg7[%dma_start3A, %dma_start3A_9, %dma_start3A_10] : memref<2x200x128xi32, #tpu.memory_space<vmem>> -> memref<1x200x128xi32, #tpu.memory_space<vmem>>
    %dma_start3A_12 = tpu.memref_squeeze %dma_start3A_11 : memref<1x200x128xi32, #tpu.memory_space<vmem>> -> memref<200x128xi32, #tpu.memory_space<vmem>>
    %dma_start3A_13 = arith.constant 0 : i32
    %dma_start3A_14 = tpu.memref_slice %arg2[%dma_start3A_13, %mul3A_2] : memref<200x4096xi32, #tpu.memory_space<hbm>> -> memref<200x128xi32, #tpu.memory_space<hbm>>
    tpu.enqueue_dma source(%dma_start3A_14 : memref<200x128xi32, #tpu.memory_space<hbm>>) target(%dma_start3A_12 : memref<200x128xi32, #tpu.memory_space<vmem>>) target_semaphore(%arg11 : memref<!tpu.dma_semaphore, #tpu.memory_space<semaphore_mem>>)
    %eq3A = arith.constant 0 : i32
    %eq3A_15 = arith.cmpi eq, %arg1, %eq3A : i32
    %convert_element_type3A = arith.extui %eq3A_15 : i1 to i32
    %cond3A = arith.constant 0 : i32
    %cond3A_16 = arith.cmpi ne, %convert_element_type3A, %cond3A : i32
    scf.if %cond3A_16 {
      %dma_start3A_145 = arith.constant 0 : i32
      %dma_start3A_146 = tpu.memref_slice %arg5[%dma_start3A_145] : memref<6256xf32, #tpu.memory_space<vmem>> -> memref<6256xf32, #tpu.memory_space<vmem>>
      %dma_start3A_147 = arith.constant 0 : i32
      %dma_start3A_148 = tpu.memref_slice %arg3[%dma_start3A_147] : memref<100000xf32, #tpu.memory_space<hbm>> -> memref<6256xf32, #tpu.memory_space<hbm>>
      %dma_start3A_149 = arith.constant 0 : i32
      %dma_start3A_150 = tpu.memref_slice %arg5[%dma_start3A_149] : memref<6256xf32, #tpu.memory_space<vmem>> -> memref<6256xf32, #tpu.memory_space<vmem>>
      %dma_start3A_151 = arith.constant 0 : i32
      %dma_start3A_152 = tpu.memref_slice %arg3[%dma_start3A_151] : memref<100000xf32, #tpu.memory_space<hbm>> -> memref<6256xf32, #tpu.memory_space<hbm>>
      tpu.enqueue_dma source(%dma_start3A_152 : memref<6256xf32, #tpu.memory_space<hbm>>) target(%dma_start3A_150 : memref<6256xf32, #tpu.memory_space<vmem>>) target_semaphore(%arg9 : memref<!tpu.dma_semaphore, #tpu.memory_space<semaphore_mem>>)
      %dma_wait3A_153 = arith.constant 0 : i32
      %dma_wait3A_154 = tpu.memref_slice %arg5[%dma_wait3A_153] : memref<6256xf32, #tpu.memory_space<vmem>> -> memref<6256xf32, #tpu.memory_space<vmem>>
      %dma_wait3A_155 = arith.constant 0 : i32
      %dma_wait3A_156 = tpu.memref_slice %arg3[%dma_wait3A_155] : memref<100000xf32, #tpu.memory_space<hbm>> -> memref<6256xf32, #tpu.memory_space<hbm>>
      %dma_wait3A_157 = arith.constant 0 : i32
      %dma_wait3A_158 = tpu.memref_slice %arg5[%dma_wait3A_157] : memref<6256xf32, #tpu.memory_space<vmem>> -> memref<6256xf32, #tpu.memory_space<vmem>>
      %dma_wait3A_159 = arith.constant 0 : i32
      %dma_wait3A_160 = tpu.memref_slice %arg3[%dma_wait3A_159] : memref<100000xf32, #tpu.memory_space<hbm>> -> memref<6256xf32, #tpu.memory_space<hbm>>
      tpu.wait_dma2 semaphore(%arg9 : memref<!tpu.dma_semaphore, #tpu.memory_space<semaphore_mem>>) src(%dma_wait3A_160 : memref<6256xf32, #tpu.memory_space<hbm>>) dst(%dma_wait3A_158 : memref<6256xf32, #tpu.memory_space<vmem>>)
      %dma_start3A_161 = arith.constant 0 : i32
      %dma_start3A_162 = tpu.memref_slice %arg5[%dma_start3A_161] : memref<6256xf32, #tpu.memory_space<vmem>> -> memref<6256xf32, #tpu.memory_space<vmem>>
      %dma_start3A_163 = arith.constant 0 : i32
      %dma_start3A_164 = tpu.memref_slice %arg6[%dma_start3A_163] : memref<100000xf32, #tpu.memory_space<vmem_shared>> -> memref<6256xf32, #tpu.memory_space<vmem_shared>>
      %dma_start3A_165 = arith.constant 0 : i32
      %dma_start3A_166 = tpu.memref_slice %arg6[%dma_start3A_165] : memref<100000xf32, #tpu.memory_space<vmem_shared>> -> memref<6256xf32, #tpu.memory_space<vmem_shared>>
      %dma_start3A_167 = arith.constant 0 : i32
      %dma_start3A_168 = tpu.memref_slice %arg5[%dma_start3A_167] : memref<6256xf32, #tpu.memory_space<vmem>> -> memref<6256xf32, #tpu.memory_space<vmem>>
      tpu.enqueue_dma source(%dma_start3A_168 : memref<6256xf32, #tpu.memory_space<vmem>>) target(%dma_start3A_166 : memref<6256xf32, #tpu.memory_space<vmem_shared>>) target_semaphore(%arg9 : memref<!tpu.dma_semaphore, #tpu.memory_space<semaphore_mem>>)
      %dma_wait3A_169 = arith.constant 0 : i32
      %dma_wait3A_170 = tpu.memref_slice %arg5[%dma_wait3A_169] : memref<6256xf32, #tpu.memory_space<vmem>> -> memref<6256xf32, #tpu.memory_space<vmem>>
      %dma_wait3A_171 = arith.constant 0 : i32
      %dma_wait3A_172 = tpu.memref_slice %arg6[%dma_wait3A_171] : memref<100000xf32, #tpu.memory_space<vmem_shared>> -> memref<6256xf32, #tpu.memory_space<vmem_shared>>
      %dma_wait3A_173 = arith.constant 0 : i32
      %dma_wait3A_174 = tpu.memref_slice %arg6[%dma_wait3A_173] : memref<100000xf32, #tpu.memory_space<vmem_shared>> -> memref<6256xf32, #tpu.memory_space<vmem_shared>>
      %dma_wait3A_175 = arith.constant 0 : i32
      %dma_wait3A_176 = tpu.memref_slice %arg5[%dma_wait3A_175] : memref<6256xf32, #tpu.memory_space<vmem>> -> memref<6256xf32, #tpu.memory_space<vmem>>
      tpu.wait_dma2 semaphore(%arg9 : memref<!tpu.dma_semaphore, #tpu.memory_space<semaphore_mem>>) src(%dma_wait3A_176 : memref<6256xf32, #tpu.memory_space<vmem>>) dst(%dma_wait3A_174 : memref<6256xf32, #tpu.memory_space<vmem_shared>>)
    } else {
    }
    %eq3A_17 = arith.constant 1 : i32
    %eq3A_18 = arith.cmpi eq, %arg1, %eq3A_17 : i32
    %convert_element_type3A_19 = arith.extui %eq3A_18 : i1 to i32
    %cond3A_20 = arith.constant 0 : i32
    %cond3A_21 = arith.cmpi ne, %convert_element_type3A_19, %cond3A_20 : i32
    scf.if %cond3A_21 {
      %dma_start3A_145 = arith.constant 0 : i32
      %dma_start3A_146 = tpu.memref_slice %arg5[%dma_start3A_145] : memref<6256xf32, #tpu.memory_space<vmem>> -> memref<6256xf32, #tpu.memory_space<vmem>>
      %dma_start3A_147 = arith.constant 6256 : i32
      %dma_start3A_148 = tpu.memref_slice %arg3[%dma_start3A_147] : memref<100000xf32, #tpu.memory_space<hbm>> -> memref<6256xf32, #tpu.memory_space<hbm>>
      %dma_start3A_149 = arith.constant 0 : i32
      %dma_start3A_150 = tpu.memref_slice %arg5[%dma_start3A_149] : memref<6256xf32, #tpu.memory_space<vmem>> -> memref<6256xf32, #tpu.memory_space<vmem>>
      %dma_start3A_151 = arith.constant 6256 : i32
      %dma_start3A_152 = tpu.memref_slice %arg3[%dma_start3A_151] : memref<100000xf32, #tpu.memory_space<hbm>> -> memref<6256xf32, #tpu.memory_space<hbm>>
      tpu.enqueue_dma source(%dma_start3A_152 : memref<6256xf32, #tpu.memory_space<hbm>>) target(%dma_start3A_150 : memref<6256xf32, #tpu.memory_space<vmem>>) target_semaphore(%arg9 : memref<!tpu.dma_semaphore, #tpu.memory_space<semaphore_mem>>)
      %dma_wait3A_153 = arith.constant 0 : i32
      %dma_wait3A_154 = tpu.memref_slice %arg5[%dma_wait3A_153] : memref<6256xf32, #tpu.memory_space<vmem>> -> memref<6256xf32, #tpu.memory_space<vmem>>
      %dma_wait3A_155 = arith.constant 6256 : i32
      %dma_wait3A_156 = tpu.memref_slice %arg3[%dma_wait3A_155] : memref<100000xf32, #tpu.memory_space<hbm>> -> memref<6256xf32, #tpu.memory_space<hbm>>
      %dma_wait3A_157 = arith.constant 0 : i32
      %dma_wait3A_158 = tpu.memref_slice %arg5[%dma_wait3A_157] : memref<6256xf32, #tpu.memory_space<vmem>> -> memref<6256xf32, #tpu.memory_space<vmem>>
      %dma_wait3A_159 = arith.constant 6256 : i32
      %dma_wait3A_160 = tpu.memref_slice %arg3[%dma_wait3A_159] : memref<100000xf32, #tpu.memory_space<hbm>> -> memref<6256xf32, #tpu.memory_space<hbm>>
      tpu.wait_dma2 semaphore(%arg9 : memref<!tpu.dma_semaphore, #tpu.memory_space<semaphore_mem>>) src(%dma_wait3A_160 : memref<6256xf32, #tpu.memory_space<hbm>>) dst(%dma_wait3A_158 : memref<6256xf32, #tpu.memory_space<vmem>>)
      %dma_start3A_161 = arith.constant 0 : i32
      %dma_start3A_162 = tpu.memref_slice %arg5[%dma_start3A_161] : memref<6256xf32, #tpu.memory_space<vmem>> -> memref<6256xf32, #tpu.memory_space<vmem>>
      %dma_start3A_163 = arith.constant 6256 : i32
      %dma_start3A_164 = tpu.memref_slice %arg6[%dma_start3A_163] : memref<100000xf32, #tpu.memory_space<vmem_shared>> -> memref<6256xf32, #tpu.memory_space<vmem_shared>>
      %dma_start3A_165 = arith.constant 6256 : i32
      %dma_start3A_166 = tpu.memref_slice %arg6[%dma_start3A_165] : memref<100000xf32, #tpu.memory_space<vmem_shared>> -> memref<6256xf32, #tpu.memory_space<vmem_shared>>
      %dma_start3A_167 = arith.constant 0 : i32
      %dma_start3A_168 = tpu.memref_slice %arg5[%dma_start3A_167] : memref<6256xf32, #tpu.memory_space<vmem>> -> memref<6256xf32, #tpu.memory_space<vmem>>
      tpu.enqueue_dma source(%dma_start3A_168 : memref<6256xf32, #tpu.memory_space<vmem>>) target(%dma_start3A_166 : memref<6256xf32, #tpu.memory_space<vmem_shared>>) target_semaphore(%arg9 : memref<!tpu.dma_semaphore, #tpu.memory_space<semaphore_mem>>)
      %dma_wait3A_169 = arith.constant 0 : i32
      %dma_wait3A_170 = tpu.memref_slice %arg5[%dma_wait3A_169] : memref<6256xf32, #tpu.memory_space<vmem>> -> memref<6256xf32, #tpu.memory_space<vmem>>
      %dma_wait3A_171 = arith.constant 6256 : i32
      %dma_wait3A_172 = tpu.memref_slice %arg6[%dma_wait3A_171] : memref<100000xf32, #tpu.memory_space<vmem_shared>> -> memref<6256xf32, #tpu.memory_space<vmem_shared>>
      %dma_wait3A_173 = arith.constant 6256 : i32
      %dma_wait3A_174 = tpu.memref_slice %arg6[%dma_wait3A_173] : memref<100000xf32, #tpu.memory_space<vmem_shared>> -> memref<6256xf32, #tpu.memory_space<vmem_shared>>
      %dma_wait3A_175 = arith.constant 0 : i32
      %dma_wait3A_176 = tpu.memref_slice %arg5[%dma_wait3A_175] : memref<6256xf32, #tpu.memory_space<vmem>> -> memref<6256xf32, #tpu.memory_space<vmem>>
      tpu.wait_dma2 semaphore(%arg9 : memref<!tpu.dma_semaphore, #tpu.memory_space<semaphore_mem>>) src(%dma_wait3A_176 : memref<6256xf32, #tpu.memory_space<vmem>>) dst(%dma_wait3A_174 : memref<6256xf32, #tpu.memory_space<vmem_shared>>)
    } else {
    }
    %eq3A_22 = arith.constant 2 : i32
    %eq3A_23 = arith.cmpi eq, %arg1, %eq3A_22 : i32
    %convert_element_type3A_24 = arith.extui %eq3A_23 : i1 to i32
    %cond3A_25 = arith.constant 0 : i32
    %cond3A_26 = arith.cmpi ne, %convert_element_type3A_24, %cond3A_25 : i32
    scf.if %cond3A_26 {
      %dma_start3A_145 = arith.constant 0 : i32
      %dma_start3A_146 = tpu.memref_slice %arg5[%dma_start3A_145] : memref<6256xf32, #tpu.memory_space<vmem>> -> memref<6256xf32, #tpu.memory_space<vmem>>
      %dma_start3A_147 = arith.constant 12512 : i32
      %dma_start3A_148 = tpu.memref_slice %arg3[%dma_start3A_147] : memref<100000xf32, #tpu.memory_space<hbm>> -> memref<6256xf32, #tpu.memory_space<hbm>>
      %dma_start3A_149 = arith.constant 0 : i32
      %dma_start3A_150 = tpu.memref_slice %arg5[%dma_start3A_149] : memref<6256xf32, #tpu.memory_space<vmem>> -> memref<6256xf32, #tpu.memory_space<vmem>>
      %dma_start3A_151 = arith.constant 12512 : i32
      %dma_start3A_152 = tpu.memref_slice %arg3[%dma_start3A_151] : memref<100000xf32, #tpu.memory_space<hbm>> -> memref<6256xf32, #tpu.memory_space<hbm>>
      tpu.enqueue_dma source(%dma_start3A_152 : memref<6256xf32, #tpu.memory_space<hbm>>) target(%dma_start3A_150 : memref<6256xf32, #tpu.memory_space<vmem>>) target_semaphore(%arg9 : memref<!tpu.dma_semaphore, #tpu.memory_space<semaphore_mem>>)
      %dma_wait3A_153 = arith.constant 0 : i32
      %dma_wait3A_154 = tpu.memref_slice %arg5[%dma_wait3A_153] : memref<6256xf32, #tpu.memory_space<vmem>> -> memref<6256xf32, #tpu.memory_space<vmem>>
      %dma_wait3A_155 = arith.constant 12512 : i32
      %dma_wait3A_156 = tpu.memref_slice %arg3[%dma_wait3A_155] : memref<100000xf32, #tpu.memory_space<hbm>> -> memref<6256xf32, #tpu.memory_space<hbm>>
      %dma_wait3A_157 = arith.constant 0 : i32
      %dma_wait3A_158 = tpu.memref_slice %arg5[%dma_wait3A_157] : memref<6256xf32, #tpu.memory_space<vmem>> -> memref<6256xf32, #tpu.memory_space<vmem>>
      %dma_wait3A_159 = arith.constant 12512 : i32
      %dma_wait3A_160 = tpu.memref_slice %arg3[%dma_wait3A_159] : memref<100000xf32, #tpu.memory_space<hbm>> -> memref<6256xf32, #tpu.memory_space<hbm>>
      tpu.wait_dma2 semaphore(%arg9 : memref<!tpu.dma_semaphore, #tpu.memory_space<semaphore_mem>>) src(%dma_wait3A_160 : memref<6256xf32, #tpu.memory_space<hbm>>) dst(%dma_wait3A_158 : memref<6256xf32, #tpu.memory_space<vmem>>)
      %dma_start3A_161 = arith.constant 0 : i32
      %dma_start3A_162 = tpu.memref_slice %arg5[%dma_start3A_161] : memref<6256xf32, #tpu.memory_space<vmem>> -> memref<6256xf32, #tpu.memory_space<vmem>>
      %dma_start3A_163 = arith.constant 12512 : i32
      %dma_start3A_164 = tpu.memref_slice %arg6[%dma_start3A_163] : memref<100000xf32, #tpu.memory_space<vmem_shared>> -> memref<6256xf32, #tpu.memory_space<vmem_shared>>
      %dma_start3A_165 = arith.constant 12512 : i32
      %dma_start3A_166 = tpu.memref_slice %arg6[%dma_start3A_165] : memref<100000xf32, #tpu.memory_space<vmem_shared>> -> memref<6256xf32, #tpu.memory_space<vmem_shared>>
      %dma_start3A_167 = arith.constant 0 : i32
      %dma_start3A_168 = tpu.memref_slice %arg5[%dma_start3A_167] : memref<6256xf32, #tpu.memory_space<vmem>> -> memref<6256xf32, #tpu.memory_space<vmem>>
      tpu.enqueue_dma source(%dma_start3A_168 : memref<6256xf32, #tpu.memory_space<vmem>>) target(%dma_start3A_166 : memref<6256xf32, #tpu.memory_space<vmem_shared>>) target_semaphore(%arg9 : memref<!tpu.dma_semaphore, #tpu.memory_space<semaphore_mem>>)
      %dma_wait3A_169 = arith.constant 0 : i32
      %dma_wait3A_170 = tpu.memref_slice %arg5[%dma_wait3A_169] : memref<6256xf32, #tpu.memory_space<vmem>> -> memref<6256xf32, #tpu.memory_space<vmem>>
      %dma_wait3A_171 = arith.constant 12512 : i32
      %dma_wait3A_172 = tpu.memref_slice %arg6[%dma_wait3A_171] : memref<100000xf32, #tpu.memory_space<vmem_shared>> -> memref<6256xf32, #tpu.memory_space<vmem_shared>>
      %dma_wait3A_173 = arith.constant 12512 : i32
      %dma_wait3A_174 = tpu.memref_slice %arg6[%dma_wait3A_173] : memref<100000xf32, #tpu.memory_space<vmem_shared>> -> memref<6256xf32, #tpu.memory_space<vmem_shared>>
      %dma_wait3A_175 = arith.constant 0 : i32
      %dma_wait3A_176 = tpu.memref_slice %arg5[%dma_wait3A_175] : memref<6256xf32, #tpu.memory_space<vmem>> -> memref<6256xf32, #tpu.memory_space<vmem>>
      tpu.wait_dma2 semaphore(%arg9 : memref<!tpu.dma_semaphore, #tpu.memory_space<semaphore_mem>>) src(%dma_wait3A_176 : memref<6256xf32, #tpu.memory_space<vmem>>) dst(%dma_wait3A_174 : memref<6256xf32, #tpu.memory_space<vmem_shared>>)
    } else {
    }
    %eq3A_27 = arith.constant 3 : i32
    %eq3A_28 = arith.cmpi eq, %arg1, %eq3A_27 : i32
    %convert_element_type3A_29 = arith.extui %eq3A_28 : i1 to i32
    %cond3A_30 = arith.constant 0 : i32
    %cond3A_31 = arith.cmpi ne, %convert_element_type3A_29, %cond3A_30 : i32
    scf.if %cond3A_31 {
      %dma_start3A_145 = arith.constant 0 : i32
      %dma_start3A_146 = tpu.memref_slice %arg5[%dma_start3A_145] : memref<6256xf32, #tpu.memory_space<vmem>> -> memref<6256xf32, #tpu.memory_space<vmem>>
      %dma_start3A_147 = arith.constant 18768 : i32
      %dma_start3A_148 = tpu.memref_slice %arg3[%dma_start3A_147] : memref<100000xf32, #tpu.memory_space<hbm>> -> memref<6256xf32, #tpu.memory_space<hbm>>
      %dma_start3A_149 = arith.constant 0 : i32
      %dma_start3A_150 = tpu.memref_slice %arg5[%dma_start3A_149] : memref<6256xf32, #tpu.memory_space<vmem>> -> memref<6256xf32, #tpu.memory_space<vmem>>
      %dma_start3A_151 = arith.constant 18768 : i32
      %dma_start3A_152 = tpu.memref_slice %arg3[%dma_start3A_151] : memref<100000xf32, #tpu.memory_space<hbm>> -> memref<6256xf32, #tpu.memory_space<hbm>>
      tpu.enqueue_dma source(%dma_start3A_152 : memref<6256xf32, #tpu.memory_space<hbm>>) target(%dma_start3A_150 : memref<6256xf32, #tpu.memory_space<vmem>>) target_semaphore(%arg9 : memref<!tpu.dma_semaphore, #tpu.memory_space<semaphore_mem>>)
      %dma_wait3A_153 = arith.constant 0 : i32
      %dma_wait3A_154 = tpu.memref_slice %arg5[%dma_wait3A_153] : memref<6256xf32, #tpu.memory_space<vmem>> -> memref<6256xf32, #tpu.memory_space<vmem>>
      %dma_wait3A_155 = arith.constant 18768 : i32
      %dma_wait3A_156 = tpu.memref_slice %arg3[%dma_wait3A_155] : memref<100000xf32, #tpu.memory_space<hbm>> -> memref<6256xf32, #tpu.memory_space<hbm>>
      %dma_wait3A_157 = arith.constant 0 : i32
      %dma_wait3A_158 = tpu.memref_slice %arg5[%dma_wait3A_157] : memref<6256xf32, #tpu.memory_space<vmem>> -> memref<6256xf32, #tpu.memory_space<vmem>>
      %dma_wait3A_159 = arith.constant 18768 : i32
      %dma_wait3A_160 = tpu.memref_slice %arg3[%dma_wait3A_159] : memref<100000xf32, #tpu.memory_space<hbm>> -> memref<6256xf32, #tpu.memory_space<hbm>>
      tpu.wait_dma2 semaphore(%arg9 : memref<!tpu.dma_semaphore, #tpu.memory_space<semaphore_mem>>) src(%dma_wait3A_160 : memref<6256xf32, #tpu.memory_space<hbm>>) dst(%dma_wait3A_158 : memref<6256xf32, #tpu.memory_space<vmem>>)
      %dma_start3A_161 = arith.constant 0 : i32
      %dma_start3A_162 = tpu.memref_slice %arg5[%dma_start3A_161] : memref<6256xf32, #tpu.memory_space<vmem>> -> memref<6256xf32, #tpu.memory_space<vmem>>
      %dma_start3A_163 = arith.constant 18768 : i32
      %dma_start3A_164 = tpu.memref_slice %arg6[%dma_start3A_163] : memref<100000xf32, #tpu.memory_space<vmem_shared>> -> memref<6256xf32, #tpu.memory_space<vmem_shared>>
      %dma_start3A_165 = arith.constant 18768 : i32
      %dma_start3A_166 = tpu.memref_slice %arg6[%dma_start3A_165] : memref<100000xf32, #tpu.memory_space<vmem_shared>> -> memref<6256xf32, #tpu.memory_space<vmem_shared>>
      %dma_start3A_167 = arith.constant 0 : i32
      %dma_start3A_168 = tpu.memref_slice %arg5[%dma_start3A_167] : memref<6256xf32, #tpu.memory_space<vmem>> -> memref<6256xf32, #tpu.memory_space<vmem>>
      tpu.enqueue_dma source(%dma_start3A_168 : memref<6256xf32, #tpu.memory_space<vmem>>) target(%dma_start3A_166 : memref<6256xf32, #tpu.memory_space<vmem_shared>>) target_semaphore(%arg9 : memref<!tpu.dma_semaphore, #tpu.memory_space<semaphore_mem>>)
      %dma_wait3A_169 = arith.constant 0 : i32
      %dma_wait3A_170 = tpu.memref_slice %arg5[%dma_wait3A_169] : memref<6256xf32, #tpu.memory_space<vmem>> -> memref<6256xf32, #tpu.memory_space<vmem>>
      %dma_wait3A_171 = arith.constant 18768 : i32
      %dma_wait3A_172 = tpu.memref_slice %arg6[%dma_wait3A_171] : memref<100000xf32, #tpu.memory_space<vmem_shared>> -> memref<6256xf32, #tpu.memory_space<vmem_shared>>
      %dma_wait3A_173 = arith.constant 18768 : i32
      %dma_wait3A_174 = tpu.memref_slice %arg6[%dma_wait3A_173] : memref<100000xf32, #tpu.memory_space<vmem_shared>> -> memref<6256xf32, #tpu.memory_space<vmem_shared>>
      %dma_wait3A_175 = arith.constant 0 : i32
      %dma_wait3A_176 = tpu.memref_slice %arg5[%dma_wait3A_175] : memref<6256xf32, #tpu.memory_space<vmem>> -> memref<6256xf32, #tpu.memory_space<vmem>>
      tpu.wait_dma2 semaphore(%arg9 : memref<!tpu.dma_semaphore, #tpu.memory_space<semaphore_mem>>) src(%dma_wait3A_176 : memref<6256xf32, #tpu.memory_space<vmem>>) dst(%dma_wait3A_174 : memref<6256xf32, #tpu.memory_space<vmem_shared>>)
    } else {
    }
    %eq3A_32 = arith.constant 4 : i32
    %eq3A_33 = arith.cmpi eq, %arg1, %eq3A_32 : i32
    %convert_element_type3A_34 = arith.extui %eq3A_33 : i1 to i32
    %cond3A_35 = arith.constant 0 : i32
    %cond3A_36 = arith.cmpi ne, %convert_element_type3A_34, %cond3A_35 : i32
    scf.if %cond3A_36 {
      %dma_start3A_145 = arith.constant 0 : i32
      %dma_start3A_146 = tpu.memref_slice %arg5[%dma_start3A_145] : memref<6256xf32, #tpu.memory_space<vmem>> -> memref<6256xf32, #tpu.memory_space<vmem>>
      %dma_start3A_147 = arith.constant 25024 : i32
      %dma_start3A_148 = tpu.memref_slice %arg3[%dma_start3A_147] : memref<100000xf32, #tpu.memory_space<hbm>> -> memref<6256xf32, #tpu.memory_space<hbm>>
      %dma_start3A_149 = arith.constant 0 : i32
      %dma_start3A_150 = tpu.memref_slice %arg5[%dma_start3A_149] : memref<6256xf32, #tpu.memory_space<vmem>> -> memref<6256xf32, #tpu.memory_space<vmem>>
      %dma_start3A_151 = arith.constant 25024 : i32
      %dma_start3A_152 = tpu.memref_slice %arg3[%dma_start3A_151] : memref<100000xf32, #tpu.memory_space<hbm>> -> memref<6256xf32, #tpu.memory_space<hbm>>
      tpu.enqueue_dma source(%dma_start3A_152 : memref<6256xf32, #tpu.memory_space<hbm>>) target(%dma_start3A_150 : memref<6256xf32, #tpu.memory_space<vmem>>) target_semaphore(%arg9 : memref<!tpu.dma_semaphore, #tpu.memory_space<semaphore_mem>>)
      %dma_wait3A_153 = arith.constant 0 : i32
      %dma_wait3A_154 = tpu.memref_slice %arg5[%dma_wait3A_153] : memref<6256xf32, #tpu.memory_space<vmem>> -> memref<6256xf32, #tpu.memory_space<vmem>>
      %dma_wait3A_155 = arith.constant 25024 : i32
      %dma_wait3A_156 = tpu.memref_slice %arg3[%dma_wait3A_155] : memref<100000xf32, #tpu.memory_space<hbm>> -> memref<6256xf32, #tpu.memory_space<hbm>>
      %dma_wait3A_157 = arith.constant 0 : i32
      %dma_wait3A_158 = tpu.memref_slice %arg5[%dma_wait3A_157] : memref<6256xf32, #tpu.memory_space<vmem>> -> memref<6256xf32, #tpu.memory_space<vmem>>
      %dma_wait3A_159 = arith.constant 25024 : i32
      %dma_wait3A_160 = tpu.memref_slice %arg3[%dma_wait3A_159] : memref<100000xf32, #tpu.memory_space<hbm>> -> memref<6256xf32, #tpu.memory_space<hbm>>
      tpu.wait_dma2 semaphore(%arg9 : memref<!tpu.dma_semaphore, #tpu.memory_space<semaphore_mem>>) src(%dma_wait3A_160 : memref<6256xf32, #tpu.memory_space<hbm>>) dst(%dma_wait3A_158 : memref<6256xf32, #tpu.memory_space<vmem>>)
      %dma_start3A_161 = arith.constant 0 : i32
      %dma_start3A_162 = tpu.memref_slice %arg5[%dma_start3A_161] : memref<6256xf32, #tpu.memory_space<vmem>> -> memref<6256xf32, #tpu.memory_space<vmem>>
      %dma_start3A_163 = arith.constant 25024 : i32
      %dma_start3A_164 = tpu.memref_slice %arg6[%dma_start3A_163] : memref<100000xf32, #tpu.memory_space<vmem_shared>> -> memref<6256xf32, #tpu.memory_space<vmem_shared>>
      %dma_start3A_165 = arith.constant 25024 : i32
      %dma_start3A_166 = tpu.memref_slice %arg6[%dma_start3A_165] : memref<100000xf32, #tpu.memory_space<vmem_shared>> -> memref<6256xf32, #tpu.memory_space<vmem_shared>>
      %dma_start3A_167 = arith.constant 0 : i32
      %dma_start3A_168 = tpu.memref_slice %arg5[%dma_start3A_167] : memref<6256xf32, #tpu.memory_space<vmem>> -> memref<6256xf32, #tpu.memory_space<vmem>>
      tpu.enqueue_dma source(%dma_start3A_168 : memref<6256xf32, #tpu.memory_space<vmem>>) target(%dma_start3A_166 : memref<6256xf32, #tpu.memory_space<vmem_shared>>) target_semaphore(%arg9 : memref<!tpu.dma_semaphore, #tpu.memory_space<semaphore_mem>>)
      %dma_wait3A_169 = arith.constant 0 : i32
      %dma_wait3A_170 = tpu.memref_slice %arg5[%dma_wait3A_169] : memref<6256xf32, #tpu.memory_space<vmem>> -> memref<6256xf32, #tpu.memory_space<vmem>>
      %dma_wait3A_171 = arith.constant 25024 : i32
      %dma_wait3A_172 = tpu.memref_slice %arg6[%dma_wait3A_171] : memref<100000xf32, #tpu.memory_space<vmem_shared>> -> memref<6256xf32, #tpu.memory_space<vmem_shared>>
      %dma_wait3A_173 = arith.constant 25024 : i32
      %dma_wait3A_174 = tpu.memref_slice %arg6[%dma_wait3A_173] : memref<100000xf32, #tpu.memory_space<vmem_shared>> -> memref<6256xf32, #tpu.memory_space<vmem_shared>>
      %dma_wait3A_175 = arith.constant 0 : i32
      %dma_wait3A_176 = tpu.memref_slice %arg5[%dma_wait3A_175] : memref<6256xf32, #tpu.memory_space<vmem>> -> memref<6256xf32, #tpu.memory_space<vmem>>
      tpu.wait_dma2 semaphore(%arg9 : memref<!tpu.dma_semaphore, #tpu.memory_space<semaphore_mem>>) src(%dma_wait3A_176 : memref<6256xf32, #tpu.memory_space<vmem>>) dst(%dma_wait3A_174 : memref<6256xf32, #tpu.memory_space<vmem_shared>>)
    } else {
    }
    %eq3A_37 = arith.constant 5 : i32
    %eq3A_38 = arith.cmpi eq, %arg1, %eq3A_37 : i32
    %convert_element_type3A_39 = arith.extui %eq3A_38 : i1 to i32
    %cond3A_40 = arith.constant 0 : i32
    %cond3A_41 = arith.cmpi ne, %convert_element_type3A_39, %cond3A_40 : i32
    scf.if %cond3A_41 {
      %dma_start3A_145 = arith.constant 0 : i32
      %dma_start3A_146 = tpu.memref_slice %arg5[%dma_start3A_145] : memref<6256xf32, #tpu.memory_space<vmem>> -> memref<6256xf32, #tpu.memory_space<vmem>>
      %dma_start3A_147 = arith.constant 31280 : i32
      %dma_start3A_148 = tpu.memref_slice %arg3[%dma_start3A_147] : memref<100000xf32, #tpu.memory_space<hbm>> -> memref<6256xf32, #tpu.memory_space<hbm>>
      %dma_start3A_149 = arith.constant 0 : i32
      %dma_start3A_150 = tpu.memref_slice %arg5[%dma_start3A_149] : memref<6256xf32, #tpu.memory_space<vmem>> -> memref<6256xf32, #tpu.memory_space<vmem>>
      %dma_start3A_151 = arith.constant 31280 : i32
      %dma_start3A_152 = tpu.memref_slice %arg3[%dma_start3A_151] : memref<100000xf32, #tpu.memory_space<hbm>> -> memref<6256xf32, #tpu.memory_space<hbm>>
      tpu.enqueue_dma source(%dma_start3A_152 : memref<6256xf32, #tpu.memory_space<hbm>>) target(%dma_start3A_150 : memref<6256xf32, #tpu.memory_space<vmem>>) target_semaphore(%arg9 : memref<!tpu.dma_semaphore, #tpu.memory_space<semaphore_mem>>)
      %dma_wait3A_153 = arith.constant 0 : i32
      %dma_wait3A_154 = tpu.memref_slice %arg5[%dma_wait3A_153] : memref<6256xf32, #tpu.memory_space<vmem>> -> memref<6256xf32, #tpu.memory_space<vmem>>
      %dma_wait3A_155 = arith.constant 31280 : i32
      %dma_wait3A_156 = tpu.memref_slice %arg3[%dma_wait3A_155] : memref<100000xf32, #tpu.memory_space<hbm>> -> memref<6256xf32, #tpu.memory_space<hbm>>
      %dma_wait3A_157 = arith.constant 0 : i32
      %dma_wait3A_158 = tpu.memref_slice %arg5[%dma_wait3A_157] : memref<6256xf32, #tpu.memory_space<vmem>> -> memref<6256xf32, #tpu.memory_space<vmem>>
      %dma_wait3A_159 = arith.constant 31280 : i32
      %dma_wait3A_160 = tpu.memref_slice %arg3[%dma_wait3A_159] : memref<100000xf32, #tpu.memory_space<hbm>> -> memref<6256xf32, #tpu.memory_space<hbm>>
      tpu.wait_dma2 semaphore(%arg9 : memref<!tpu.dma_semaphore, #tpu.memory_space<semaphore_mem>>) src(%dma_wait3A_160 : memref<6256xf32, #tpu.memory_space<hbm>>) dst(%dma_wait3A_158 : memref<6256xf32, #tpu.memory_space<vmem>>)
      %dma_start3A_161 = arith.constant 0 : i32
      %dma_start3A_162 = tpu.memref_slice %arg5[%dma_start3A_161] : memref<6256xf32, #tpu.memory_space<vmem>> -> memref<6256xf32, #tpu.memory_space<vmem>>
      %dma_start3A_163 = arith.constant 31280 : i32
      %dma_start3A_164 = tpu.memref_slice %arg6[%dma_start3A_163] : memref<100000xf32, #tpu.memory_space<vmem_shared>> -> memref<6256xf32, #tpu.memory_space<vmem_shared>>
      %dma_start3A_165 = arith.constant 31280 : i32
      %dma_start3A_166 = tpu.memref_slice %arg6[%dma_start3A_165] : memref<100000xf32, #tpu.memory_space<vmem_shared>> -> memref<6256xf32, #tpu.memory_space<vmem_shared>>
      %dma_start3A_167 = arith.constant 0 : i32
      %dma_start3A_168 = tpu.memref_slice %arg5[%dma_start3A_167] : memref<6256xf32, #tpu.memory_space<vmem>> -> memref<6256xf32, #tpu.memory_space<vmem>>
      tpu.enqueue_dma source(%dma_start3A_168 : memref<6256xf32, #tpu.memory_space<vmem>>) target(%dma_start3A_166 : memref<6256xf32, #tpu.memory_space<vmem_shared>>) target_semaphore(%arg9 : memref<!tpu.dma_semaphore, #tpu.memory_space<semaphore_mem>>)
      %dma_wait3A_169 = arith.constant 0 : i32
      %dma_wait3A_170 = tpu.memref_slice %arg5[%dma_wait3A_169] : memref<6256xf32, #tpu.memory_space<vmem>> -> memref<6256xf32, #tpu.memory_space<vmem>>
      %dma_wait3A_171 = arith.constant 31280 : i32
      %dma_wait3A_172 = tpu.memref_slice %arg6[%dma_wait3A_171] : memref<100000xf32, #tpu.memory_space<vmem_shared>> -> memref<6256xf32, #tpu.memory_space<vmem_shared>>
      %dma_wait3A_173 = arith.constant 31280 : i32
      %dma_wait3A_174 = tpu.memref_slice %arg6[%dma_wait3A_173] : memref<100000xf32, #tpu.memory_space<vmem_shared>> -> memref<6256xf32, #tpu.memory_space<vmem_shared>>
      %dma_wait3A_175 = arith.constant 0 : i32
      %dma_wait3A_176 = tpu.memref_slice %arg5[%dma_wait3A_175] : memref<6256xf32, #tpu.memory_space<vmem>> -> memref<6256xf32, #tpu.memory_space<vmem>>
      tpu.wait_dma2 semaphore(%arg9 : memref<!tpu.dma_semaphore, #tpu.memory_space<semaphore_mem>>) src(%dma_wait3A_176 : memref<6256xf32, #tpu.memory_space<vmem>>) dst(%dma_wait3A_174 : memref<6256xf32, #tpu.memory_space<vmem_shared>>)
    } else {
    }
    %eq3A_42 = arith.constant 6 : i32
    %eq3A_43 = arith.cmpi eq, %arg1, %eq3A_42 : i32
    %convert_element_type3A_44 = arith.extui %eq3A_43 : i1 to i32
    %cond3A_45 = arith.constant 0 : i32
    %cond3A_46 = arith.cmpi ne, %convert_element_type3A_44, %cond3A_45 : i32
    scf.if %cond3A_46 {
      %dma_start3A_145 = arith.constant 0 : i32
      %dma_start3A_146 = tpu.memref_slice %arg5[%dma_start3A_145] : memref<6256xf32, #tpu.memory_space<vmem>> -> memref<6256xf32, #tpu.memory_space<vmem>>
      %dma_start3A_147 = arith.constant 37536 : i32
      %dma_start3A_148 = tpu.memref_slice %arg3[%dma_start3A_147] : memref<100000xf32, #tpu.memory_space<hbm>> -> memref<6256xf32, #tpu.memory_space<hbm>>
      %dma_start3A_149 = arith.constant 0 : i32
      %dma_start3A_150 = tpu.memref_slice %arg5[%dma_start3A_149] : memref<6256xf32, #tpu.memory_space<vmem>> -> memref<6256xf32, #tpu.memory_space<vmem>>
      %dma_start3A_151 = arith.constant 37536 : i32
      %dma_start3A_152 = tpu.memref_slice %arg3[%dma_start3A_151] : memref<100000xf32, #tpu.memory_space<hbm>> -> memref<6256xf32, #tpu.memory_space<hbm>>
      tpu.enqueue_dma source(%dma_start3A_152 : memref<6256xf32, #tpu.memory_space<hbm>>) target(%dma_start3A_150 : memref<6256xf32, #tpu.memory_space<vmem>>) target_semaphore(%arg9 : memref<!tpu.dma_semaphore, #tpu.memory_space<semaphore_mem>>)
      %dma_wait3A_153 = arith.constant 0 : i32
      %dma_wait3A_154 = tpu.memref_slice %arg5[%dma_wait3A_153] : memref<6256xf32, #tpu.memory_space<vmem>> -> memref<6256xf32, #tpu.memory_space<vmem>>
      %dma_wait3A_155 = arith.constant 37536 : i32
      %dma_wait3A_156 = tpu.memref_slice %arg3[%dma_wait3A_155] : memref<100000xf32, #tpu.memory_space<hbm>> -> memref<6256xf32, #tpu.memory_space<hbm>>
      %dma_wait3A_157 = arith.constant 0 : i32
      %dma_wait3A_158 = tpu.memref_slice %arg5[%dma_wait3A_157] : memref<6256xf32, #tpu.memory_space<vmem>> -> memref<6256xf32, #tpu.memory_space<vmem>>
      %dma_wait3A_159 = arith.constant 37536 : i32
      %dma_wait3A_160 = tpu.memref_slice %arg3[%dma_wait3A_159] : memref<100000xf32, #tpu.memory_space<hbm>> -> memref<6256xf32, #tpu.memory_space<hbm>>
      tpu.wait_dma2 semaphore(%arg9 : memref<!tpu.dma_semaphore, #tpu.memory_space<semaphore_mem>>) src(%dma_wait3A_160 : memref<6256xf32, #tpu.memory_space<hbm>>) dst(%dma_wait3A_158 : memref<6256xf32, #tpu.memory_space<vmem>>)
      %dma_start3A_161 = arith.constant 0 : i32
      %dma_start3A_162 = tpu.memref_slice %arg5[%dma_start3A_161] : memref<6256xf32, #tpu.memory_space<vmem>> -> memref<6256xf32, #tpu.memory_space<vmem>>
      %dma_start3A_163 = arith.constant 37536 : i32
      %dma_start3A_164 = tpu.memref_slice %arg6[%dma_start3A_163] : memref<100000xf32, #tpu.memory_space<vmem_shared>> -> memref<6256xf32, #tpu.memory_space<vmem_shared>>
      %dma_start3A_165 = arith.constant 37536 : i32
      %dma_start3A_166 = tpu.memref_slice %arg6[%dma_start3A_165] : memref<100000xf32, #tpu.memory_space<vmem_shared>> -> memref<6256xf32, #tpu.memory_space<vmem_shared>>
      %dma_start3A_167 = arith.constant 0 : i32
      %dma_start3A_168 = tpu.memref_slice %arg5[%dma_start3A_167] : memref<6256xf32, #tpu.memory_space<vmem>> -> memref<6256xf32, #tpu.memory_space<vmem>>
      tpu.enqueue_dma source(%dma_start3A_168 : memref<6256xf32, #tpu.memory_space<vmem>>) target(%dma_start3A_166 : memref<6256xf32, #tpu.memory_space<vmem_shared>>) target_semaphore(%arg9 : memref<!tpu.dma_semaphore, #tpu.memory_space<semaphore_mem>>)
      %dma_wait3A_169 = arith.constant 0 : i32
      %dma_wait3A_170 = tpu.memref_slice %arg5[%dma_wait3A_169] : memref<6256xf32, #tpu.memory_space<vmem>> -> memref<6256xf32, #tpu.memory_space<vmem>>
      %dma_wait3A_171 = arith.constant 37536 : i32
      %dma_wait3A_172 = tpu.memref_slice %arg6[%dma_wait3A_171] : memref<100000xf32, #tpu.memory_space<vmem_shared>> -> memref<6256xf32, #tpu.memory_space<vmem_shared>>
      %dma_wait3A_173 = arith.constant 37536 : i32
      %dma_wait3A_174 = tpu.memref_slice %arg6[%dma_wait3A_173] : memref<100000xf32, #tpu.memory_space<vmem_shared>> -> memref<6256xf32, #tpu.memory_space<vmem_shared>>
      %dma_wait3A_175 = arith.constant 0 : i32
      %dma_wait3A_176 = tpu.memref_slice %arg5[%dma_wait3A_175] : memref<6256xf32, #tpu.memory_space<vmem>> -> memref<6256xf32, #tpu.memory_space<vmem>>
      tpu.wait_dma2 semaphore(%arg9 : memref<!tpu.dma_semaphore, #tpu.memory_space<semaphore_mem>>) src(%dma_wait3A_176 : memref<6256xf32, #tpu.memory_space<vmem>>) dst(%dma_wait3A_174 : memref<6256xf32, #tpu.memory_space<vmem_shared>>)
    } else {
    }
    %eq3A_47 = arith.constant 7 : i32
    %eq3A_48 = arith.cmpi eq, %arg1, %eq3A_47 : i32
    %convert_element_type3A_49 = arith.extui %eq3A_48 : i1 to i32
    %cond3A_50 = arith.constant 0 : i32
    %cond3A_51 = arith.cmpi ne, %convert_element_type3A_49, %cond3A_50 : i32
    scf.if %cond3A_51 {
      %dma_start3A_145 = arith.constant 0 : i32
      %dma_start3A_146 = tpu.memref_slice %arg5[%dma_start3A_145] : memref<6256xf32, #tpu.memory_space<vmem>> -> memref<6256xf32, #tpu.memory_space<vmem>>
      %dma_start3A_147 = arith.constant 43792 : i32
      %dma_start3A_148 = tpu.memref_slice %arg3[%dma_start3A_147] : memref<100000xf32, #tpu.memory_space<hbm>> -> memref<6256xf32, #tpu.memory_space<hbm>>
      %dma_start3A_149 = arith.constant 0 : i32
      %dma_start3A_150 = tpu.memref_slice %arg5[%dma_start3A_149] : memref<6256xf32, #tpu.memory_space<vmem>> -> memref<6256xf32, #tpu.memory_space<vmem>>
      %dma_start3A_151 = arith.constant 43792 : i32
      %dma_start3A_152 = tpu.memref_slice %arg3[%dma_start3A_151] : memref<100000xf32, #tpu.memory_space<hbm>> -> memref<6256xf32, #tpu.memory_space<hbm>>
      tpu.enqueue_dma source(%dma_start3A_152 : memref<6256xf32, #tpu.memory_space<hbm>>) target(%dma_start3A_150 : memref<6256xf32, #tpu.memory_space<vmem>>) target_semaphore(%arg9 : memref<!tpu.dma_semaphore, #tpu.memory_space<semaphore_mem>>)
      %dma_wait3A_153 = arith.constant 0 : i32
      %dma_wait3A_154 = tpu.memref_slice %arg5[%dma_wait3A_153] : memref<6256xf32, #tpu.memory_space<vmem>> -> memref<6256xf32, #tpu.memory_space<vmem>>
      %dma_wait3A_155 = arith.constant 43792 : i32
      %dma_wait3A_156 = tpu.memref_slice %arg3[%dma_wait3A_155] : memref<100000xf32, #tpu.memory_space<hbm>> -> memref<6256xf32, #tpu.memory_space<hbm>>
      %dma_wait3A_157 = arith.constant 0 : i32
      %dma_wait3A_158 = tpu.memref_slice %arg5[%dma_wait3A_157] : memref<6256xf32, #tpu.memory_space<vmem>> -> memref<6256xf32, #tpu.memory_space<vmem>>
      %dma_wait3A_159 = arith.constant 43792 : i32
      %dma_wait3A_160 = tpu.memref_slice %arg3[%dma_wait3A_159] : memref<100000xf32, #tpu.memory_space<hbm>> -> memref<6256xf32, #tpu.memory_space<hbm>>
      tpu.wait_dma2 semaphore(%arg9 : memref<!tpu.dma_semaphore, #tpu.memory_space<semaphore_mem>>) src(%dma_wait3A_160 : memref<6256xf32, #tpu.memory_space<hbm>>) dst(%dma_wait3A_158 : memref<6256xf32, #tpu.memory_space<vmem>>)
      %dma_start3A_161 = arith.constant 0 : i32
      %dma_start3A_162 = tpu.memref_slice %arg5[%dma_start3A_161] : memref<6256xf32, #tpu.memory_space<vmem>> -> memref<6256xf32, #tpu.memory_space<vmem>>
      %dma_start3A_163 = arith.constant 43792 : i32
      %dma_start3A_164 = tpu.memref_slice %arg6[%dma_start3A_163] : memref<100000xf32, #tpu.memory_space<vmem_shared>> -> memref<6256xf32, #tpu.memory_space<vmem_shared>>
      %dma_start3A_165 = arith.constant 43792 : i32
      %dma_start3A_166 = tpu.memref_slice %arg6[%dma_start3A_165] : memref<100000xf32, #tpu.memory_space<vmem_shared>> -> memref<6256xf32, #tpu.memory_space<vmem_shared>>
      %dma_start3A_167 = arith.constant 0 : i32
      %dma_start3A_168 = tpu.memref_slice %arg5[%dma_start3A_167] : memref<6256xf32, #tpu.memory_space<vmem>> -> memref<6256xf32, #tpu.memory_space<vmem>>
      tpu.enqueue_dma source(%dma_start3A_168 : memref<6256xf32, #tpu.memory_space<vmem>>) target(%dma_start3A_166 : memref<6256xf32, #tpu.memory_space<vmem_shared>>) target_semaphore(%arg9 : memref<!tpu.dma_semaphore, #tpu.memory_space<semaphore_mem>>)
      %dma_wait3A_169 = arith.constant 0 : i32
      %dma_wait3A_170 = tpu.memref_slice %arg5[%dma_wait3A_169] : memref<6256xf32, #tpu.memory_space<vmem>> -> memref<6256xf32, #tpu.memory_space<vmem>>
      %dma_wait3A_171 = arith.constant 43792 : i32
      %dma_wait3A_172 = tpu.memref_slice %arg6[%dma_wait3A_171] : memref<100000xf32, #tpu.memory_space<vmem_shared>> -> memref<6256xf32, #tpu.memory_space<vmem_shared>>
      %dma_wait3A_173 = arith.constant 43792 : i32
      %dma_wait3A_174 = tpu.memref_slice %arg6[%dma_wait3A_173] : memref<100000xf32, #tpu.memory_space<vmem_shared>> -> memref<6256xf32, #tpu.memory_space<vmem_shared>>
      %dma_wait3A_175 = arith.constant 0 : i32
      %dma_wait3A_176 = tpu.memref_slice %arg5[%dma_wait3A_175] : memref<6256xf32, #tpu.memory_space<vmem>> -> memref<6256xf32, #tpu.memory_space<vmem>>
      tpu.wait_dma2 semaphore(%arg9 : memref<!tpu.dma_semaphore, #tpu.memory_space<semaphore_mem>>) src(%dma_wait3A_176 : memref<6256xf32, #tpu.memory_space<vmem>>) dst(%dma_wait3A_174 : memref<6256xf32, #tpu.memory_space<vmem_shared>>)
    } else {
    }
    %eq3A_52 = arith.constant 8 : i32
    %eq3A_53 = arith.cmpi eq, %arg1, %eq3A_52 : i32
    %convert_element_type3A_54 = arith.extui %eq3A_53 : i1 to i32
    %cond3A_55 = arith.constant 0 : i32
    %cond3A_56 = arith.cmpi ne, %convert_element_type3A_54, %cond3A_55 : i32
    scf.if %cond3A_56 {
      %dma_start3A_145 = arith.constant 0 : i32
      %dma_start3A_146 = tpu.memref_slice %arg5[%dma_start3A_145] : memref<6256xf32, #tpu.memory_space<vmem>> -> memref<6256xf32, #tpu.memory_space<vmem>>
      %dma_start3A_147 = arith.constant 50048 : i32
      %dma_start3A_148 = tpu.memref_slice %arg3[%dma_start3A_147] : memref<100000xf32, #tpu.memory_space<hbm>> -> memref<6256xf32, #tpu.memory_space<hbm>>
      %dma_start3A_149 = arith.constant 0 : i32
      %dma_start3A_150 = tpu.memref_slice %arg5[%dma_start3A_149] : memref<6256xf32, #tpu.memory_space<vmem>> -> memref<6256xf32, #tpu.memory_space<vmem>>
      %dma_start3A_151 = arith.constant 50048 : i32
      %dma_start3A_152 = tpu.memref_slice %arg3[%dma_start3A_151] : memref<100000xf32, #tpu.memory_space<hbm>> -> memref<6256xf32, #tpu.memory_space<hbm>>
      tpu.enqueue_dma source(%dma_start3A_152 : memref<6256xf32, #tpu.memory_space<hbm>>) target(%dma_start3A_150 : memref<6256xf32, #tpu.memory_space<vmem>>) target_semaphore(%arg9 : memref<!tpu.dma_semaphore, #tpu.memory_space<semaphore_mem>>)
      %dma_wait3A_153 = arith.constant 0 : i32
      %dma_wait3A_154 = tpu.memref_slice %arg5[%dma_wait3A_153] : memref<6256xf32, #tpu.memory_space<vmem>> -> memref<6256xf32, #tpu.memory_space<vmem>>
      %dma_wait3A_155 = arith.constant 50048 : i32
      %dma_wait3A_156 = tpu.memref_slice %arg3[%dma_wait3A_155] : memref<100000xf32, #tpu.memory_space<hbm>> -> memref<6256xf32, #tpu.memory_space<hbm>>
      %dma_wait3A_157 = arith.constant 0 : i32
      %dma_wait3A_158 = tpu.memref_slice %arg5[%dma_wait3A_157] : memref<6256xf32, #tpu.memory_space<vmem>> -> memref<6256xf32, #tpu.memory_space<vmem>>
      %dma_wait3A_159 = arith.constant 50048 : i32
      %dma_wait3A_160 = tpu.memref_slice %arg3[%dma_wait3A_159] : memref<100000xf32, #tpu.memory_space<hbm>> -> memref<6256xf32, #tpu.memory_space<hbm>>
      tpu.wait_dma2 semaphore(%arg9 : memref<!tpu.dma_semaphore, #tpu.memory_space<semaphore_mem>>) src(%dma_wait3A_160 : memref<6256xf32, #tpu.memory_space<hbm>>) dst(%dma_wait3A_158 : memref<6256xf32, #tpu.memory_space<vmem>>)
      %dma_start3A_161 = arith.constant 0 : i32
      %dma_start3A_162 = tpu.memref_slice %arg5[%dma_start3A_161] : memref<6256xf32, #tpu.memory_space<vmem>> -> memref<6256xf32, #tpu.memory_space<vmem>>
      %dma_start3A_163 = arith.constant 50048 : i32
      %dma_start3A_164 = tpu.memref_slice %arg6[%dma_start3A_163] : memref<100000xf32, #tpu.memory_space<vmem_shared>> -> memref<6256xf32, #tpu.memory_space<vmem_shared>>
      %dma_start3A_165 = arith.constant 50048 : i32
      %dma_start3A_166 = tpu.memref_slice %arg6[%dma_start3A_165] : memref<100000xf32, #tpu.memory_space<vmem_shared>> -> memref<6256xf32, #tpu.memory_space<vmem_shared>>
      %dma_start3A_167 = arith.constant 0 : i32
      %dma_start3A_168 = tpu.memref_slice %arg5[%dma_start3A_167] : memref<6256xf32, #tpu.memory_space<vmem>> -> memref<6256xf32, #tpu.memory_space<vmem>>
      tpu.enqueue_dma source(%dma_start3A_168 : memref<6256xf32, #tpu.memory_space<vmem>>) target(%dma_start3A_166 : memref<6256xf32, #tpu.memory_space<vmem_shared>>) target_semaphore(%arg9 : memref<!tpu.dma_semaphore, #tpu.memory_space<semaphore_mem>>)
      %dma_wait3A_169 = arith.constant 0 : i32
      %dma_wait3A_170 = tpu.memref_slice %arg5[%dma_wait3A_169] : memref<6256xf32, #tpu.memory_space<vmem>> -> memref<6256xf32, #tpu.memory_space<vmem>>
      %dma_wait3A_171 = arith.constant 50048 : i32
      %dma_wait3A_172 = tpu.memref_slice %arg6[%dma_wait3A_171] : memref<100000xf32, #tpu.memory_space<vmem_shared>> -> memref<6256xf32, #tpu.memory_space<vmem_shared>>
      %dma_wait3A_173 = arith.constant 50048 : i32
      %dma_wait3A_174 = tpu.memref_slice %arg6[%dma_wait3A_173] : memref<100000xf32, #tpu.memory_space<vmem_shared>> -> memref<6256xf32, #tpu.memory_space<vmem_shared>>
      %dma_wait3A_175 = arith.constant 0 : i32
      %dma_wait3A_176 = tpu.memref_slice %arg5[%dma_wait3A_175] : memref<6256xf32, #tpu.memory_space<vmem>> -> memref<6256xf32, #tpu.memory_space<vmem>>
      tpu.wait_dma2 semaphore(%arg9 : memref<!tpu.dma_semaphore, #tpu.memory_space<semaphore_mem>>) src(%dma_wait3A_176 : memref<6256xf32, #tpu.memory_space<vmem>>) dst(%dma_wait3A_174 : memref<6256xf32, #tpu.memory_space<vmem_shared>>)
    } else {
    }
    %eq3A_57 = arith.constant 9 : i32
    %eq3A_58 = arith.cmpi eq, %arg1, %eq3A_57 : i32
    %convert_element_type3A_59 = arith.extui %eq3A_58 : i1 to i32
    %cond3A_60 = arith.constant 0 : i32
    %cond3A_61 = arith.cmpi ne, %convert_element_type3A_59, %cond3A_60 : i32
    scf.if %cond3A_61 {
      %dma_start3A_145 = arith.constant 0 : i32
      %dma_start3A_146 = tpu.memref_slice %arg5[%dma_start3A_145] : memref<6256xf32, #tpu.memory_space<vmem>> -> memref<6256xf32, #tpu.memory_space<vmem>>
      %dma_start3A_147 = arith.constant 56304 : i32
      %dma_start3A_148 = tpu.memref_slice %arg3[%dma_start3A_147] : memref<100000xf32, #tpu.memory_space<hbm>> -> memref<6256xf32, #tpu.memory_space<hbm>>
      %dma_start3A_149 = arith.constant 0 : i32
      %dma_start3A_150 = tpu.memref_slice %arg5[%dma_start3A_149] : memref<6256xf32, #tpu.memory_space<vmem>> -> memref<6256xf32, #tpu.memory_space<vmem>>
      %dma_start3A_151 = arith.constant 56304 : i32
      %dma_start3A_152 = tpu.memref_slice %arg3[%dma_start3A_151] : memref<100000xf32, #tpu.memory_space<hbm>> -> memref<6256xf32, #tpu.memory_space<hbm>>
      tpu.enqueue_dma source(%dma_start3A_152 : memref<6256xf32, #tpu.memory_space<hbm>>) target(%dma_start3A_150 : memref<6256xf32, #tpu.memory_space<vmem>>) target_semaphore(%arg9 : memref<!tpu.dma_semaphore, #tpu.memory_space<semaphore_mem>>)
      %dma_wait3A_153 = arith.constant 0 : i32
      %dma_wait3A_154 = tpu.memref_slice %arg5[%dma_wait3A_153] : memref<6256xf32, #tpu.memory_space<vmem>> -> memref<6256xf32, #tpu.memory_space<vmem>>
      %dma_wait3A_155 = arith.constant 56304 : i32
      %dma_wait3A_156 = tpu.memref_slice %arg3[%dma_wait3A_155] : memref<100000xf32, #tpu.memory_space<hbm>> -> memref<6256xf32, #tpu.memory_space<hbm>>
      %dma_wait3A_157 = arith.constant 0 : i32
      %dma_wait3A_158 = tpu.memref_slice %arg5[%dma_wait3A_157] : memref<6256xf32, #tpu.memory_space<vmem>> -> memref<6256xf32, #tpu.memory_space<vmem>>
      %dma_wait3A_159 = arith.constant 56304 : i32
      %dma_wait3A_160 = tpu.memref_slice %arg3[%dma_wait3A_159] : memref<100000xf32, #tpu.memory_space<hbm>> -> memref<6256xf32, #tpu.memory_space<hbm>>
      tpu.wait_dma2 semaphore(%arg9 : memref<!tpu.dma_semaphore, #tpu.memory_space<semaphore_mem>>) src(%dma_wait3A_160 : memref<6256xf32, #tpu.memory_space<hbm>>) dst(%dma_wait3A_158 : memref<6256xf32, #tpu.memory_space<vmem>>)
      %dma_start3A_161 = arith.constant 0 : i32
      %dma_start3A_162 = tpu.memref_slice %arg5[%dma_start3A_161] : memref<6256xf32, #tpu.memory_space<vmem>> -> memref<6256xf32, #tpu.memory_space<vmem>>
      %dma_start3A_163 = arith.constant 56304 : i32
      %dma_start3A_164 = tpu.memref_slice %arg6[%dma_start3A_163] : memref<100000xf32, #tpu.memory_space<vmem_shared>> -> memref<6256xf32, #tpu.memory_space<vmem_shared>>
      %dma_start3A_165 = arith.constant 56304 : i32
      %dma_start3A_166 = tpu.memref_slice %arg6[%dma_start3A_165] : memref<100000xf32, #tpu.memory_space<vmem_shared>> -> memref<6256xf32, #tpu.memory_space<vmem_shared>>
      %dma_start3A_167 = arith.constant 0 : i32
      %dma_start3A_168 = tpu.memref_slice %arg5[%dma_start3A_167] : memref<6256xf32, #tpu.memory_space<vmem>> -> memref<6256xf32, #tpu.memory_space<vmem>>
      tpu.enqueue_dma source(%dma_start3A_168 : memref<6256xf32, #tpu.memory_space<vmem>>) target(%dma_start3A_166 : memref<6256xf32, #tpu.memory_space<vmem_shared>>) target_semaphore(%arg9 : memref<!tpu.dma_semaphore, #tpu.memory_space<semaphore_mem>>)
      %dma_wait3A_169 = arith.constant 0 : i32
      %dma_wait3A_170 = tpu.memref_slice %arg5[%dma_wait3A_169] : memref<6256xf32, #tpu.memory_space<vmem>> -> memref<6256xf32, #tpu.memory_space<vmem>>
      %dma_wait3A_171 = arith.constant 56304 : i32
      %dma_wait3A_172 = tpu.memref_slice %arg6[%dma_wait3A_171] : memref<100000xf32, #tpu.memory_space<vmem_shared>> -> memref<6256xf32, #tpu.memory_space<vmem_shared>>
      %dma_wait3A_173 = arith.constant 56304 : i32
      %dma_wait3A_174 = tpu.memref_slice %arg6[%dma_wait3A_173] : memref<100000xf32, #tpu.memory_space<vmem_shared>> -> memref<6256xf32, #tpu.memory_space<vmem_shared>>
      %dma_wait3A_175 = arith.constant 0 : i32
      %dma_wait3A_176 = tpu.memref_slice %arg5[%dma_wait3A_175] : memref<6256xf32, #tpu.memory_space<vmem>> -> memref<6256xf32, #tpu.memory_space<vmem>>
      tpu.wait_dma2 semaphore(%arg9 : memref<!tpu.dma_semaphore, #tpu.memory_space<semaphore_mem>>) src(%dma_wait3A_176 : memref<6256xf32, #tpu.memory_space<vmem>>) dst(%dma_wait3A_174 : memref<6256xf32, #tpu.memory_space<vmem_shared>>)
    } else {
    }
    %eq3A_62 = arith.constant 10 : i32
    %eq3A_63 = arith.cmpi eq, %arg1, %eq3A_62 : i32
    %convert_element_type3A_64 = arith.extui %eq3A_63 : i1 to i32
    %cond3A_65 = arith.constant 0 : i32
    %cond3A_66 = arith.cmpi ne, %convert_element_type3A_64, %cond3A_65 : i32
    scf.if %cond3A_66 {
      %dma_start3A_145 = arith.constant 0 : i32
      %dma_start3A_146 = tpu.memref_slice %arg5[%dma_start3A_145] : memref<6256xf32, #tpu.memory_space<vmem>> -> memref<6256xf32, #tpu.memory_space<vmem>>
      %dma_start3A_147 = arith.constant 62560 : i32
      %dma_start3A_148 = tpu.memref_slice %arg3[%dma_start3A_147] : memref<100000xf32, #tpu.memory_space<hbm>> -> memref<6256xf32, #tpu.memory_space<hbm>>
      %dma_start3A_149 = arith.constant 0 : i32
      %dma_start3A_150 = tpu.memref_slice %arg5[%dma_start3A_149] : memref<6256xf32, #tpu.memory_space<vmem>> -> memref<6256xf32, #tpu.memory_space<vmem>>
      %dma_start3A_151 = arith.constant 62560 : i32
      %dma_start3A_152 = tpu.memref_slice %arg3[%dma_start3A_151] : memref<100000xf32, #tpu.memory_space<hbm>> -> memref<6256xf32, #tpu.memory_space<hbm>>
      tpu.enqueue_dma source(%dma_start3A_152 : memref<6256xf32, #tpu.memory_space<hbm>>) target(%dma_start3A_150 : memref<6256xf32, #tpu.memory_space<vmem>>) target_semaphore(%arg9 : memref<!tpu.dma_semaphore, #tpu.memory_space<semaphore_mem>>)
      %dma_wait3A_153 = arith.constant 0 : i32
      %dma_wait3A_154 = tpu.memref_slice %arg5[%dma_wait3A_153] : memref<6256xf32, #tpu.memory_space<vmem>> -> memref<6256xf32, #tpu.memory_space<vmem>>
      %dma_wait3A_155 = arith.constant 62560 : i32
      %dma_wait3A_156 = tpu.memref_slice %arg3[%dma_wait3A_155] : memref<100000xf32, #tpu.memory_space<hbm>> -> memref<6256xf32, #tpu.memory_space<hbm>>
      %dma_wait3A_157 = arith.constant 0 : i32
      %dma_wait3A_158 = tpu.memref_slice %arg5[%dma_wait3A_157] : memref<6256xf32, #tpu.memory_space<vmem>> -> memref<6256xf32, #tpu.memory_space<vmem>>
      %dma_wait3A_159 = arith.constant 62560 : i32
      %dma_wait3A_160 = tpu.memref_slice %arg3[%dma_wait3A_159] : memref<100000xf32, #tpu.memory_space<hbm>> -> memref<6256xf32, #tpu.memory_space<hbm>>
      tpu.wait_dma2 semaphore(%arg9 : memref<!tpu.dma_semaphore, #tpu.memory_space<semaphore_mem>>) src(%dma_wait3A_160 : memref<6256xf32, #tpu.memory_space<hbm>>) dst(%dma_wait3A_158 : memref<6256xf32, #tpu.memory_space<vmem>>)
      %dma_start3A_161 = arith.constant 0 : i32
      %dma_start3A_162 = tpu.memref_slice %arg5[%dma_start3A_161] : memref<6256xf32, #tpu.memory_space<vmem>> -> memref<6256xf32, #tpu.memory_space<vmem>>
      %dma_start3A_163 = arith.constant 62560 : i32
      %dma_start3A_164 = tpu.memref_slice %arg6[%dma_start3A_163] : memref<100000xf32, #tpu.memory_space<vmem_shared>> -> memref<6256xf32, #tpu.memory_space<vmem_shared>>
      %dma_start3A_165 = arith.constant 62560 : i32
      %dma_start3A_166 = tpu.memref_slice %arg6[%dma_start3A_165] : memref<100000xf32, #tpu.memory_space<vmem_shared>> -> memref<6256xf32, #tpu.memory_space<vmem_shared>>
      %dma_start3A_167 = arith.constant 0 : i32
      %dma_start3A_168 = tpu.memref_slice %arg5[%dma_start3A_167] : memref<6256xf32, #tpu.memory_space<vmem>> -> memref<6256xf32, #tpu.memory_space<vmem>>
      tpu.enqueue_dma source(%dma_start3A_168 : memref<6256xf32, #tpu.memory_space<vmem>>) target(%dma_start3A_166 : memref<6256xf32, #tpu.memory_space<vmem_shared>>) target_semaphore(%arg9 : memref<!tpu.dma_semaphore, #tpu.memory_space<semaphore_mem>>)
      %dma_wait3A_169 = arith.constant 0 : i32
      %dma_wait3A_170 = tpu.memref_slice %arg5[%dma_wait3A_169] : memref<6256xf32, #tpu.memory_space<vmem>> -> memref<6256xf32, #tpu.memory_space<vmem>>
      %dma_wait3A_171 = arith.constant 62560 : i32
      %dma_wait3A_172 = tpu.memref_slice %arg6[%dma_wait3A_171] : memref<100000xf32, #tpu.memory_space<vmem_shared>> -> memref<6256xf32, #tpu.memory_space<vmem_shared>>
      %dma_wait3A_173 = arith.constant 62560 : i32
      %dma_wait3A_174 = tpu.memref_slice %arg6[%dma_wait3A_173] : memref<100000xf32, #tpu.memory_space<vmem_shared>> -> memref<6256xf32, #tpu.memory_space<vmem_shared>>
      %dma_wait3A_175 = arith.constant 0 : i32
      %dma_wait3A_176 = tpu.memref_slice %arg5[%dma_wait3A_175] : memref<6256xf32, #tpu.memory_space<vmem>> -> memref<6256xf32, #tpu.memory_space<vmem>>
      tpu.wait_dma2 semaphore(%arg9 : memref<!tpu.dma_semaphore, #tpu.memory_space<semaphore_mem>>) src(%dma_wait3A_176 : memref<6256xf32, #tpu.memory_space<vmem>>) dst(%dma_wait3A_174 : memref<6256xf32, #tpu.memory_space<vmem_shared>>)
    } else {
    }
    %eq3A_67 = arith.constant 11 : i32
    %eq3A_68 = arith.cmpi eq, %arg1, %eq3A_67 : i32
    %convert_element_type3A_69 = arith.extui %eq3A_68 : i1 to i32
    %cond3A_70 = arith.constant 0 : i32
    %cond3A_71 = arith.cmpi ne, %convert_element_type3A_69, %cond3A_70 : i32
    scf.if %cond3A_71 {
      %dma_start3A_145 = arith.constant 0 : i32
      %dma_start3A_146 = tpu.memref_slice %arg5[%dma_start3A_145] : memref<6256xf32, #tpu.memory_space<vmem>> -> memref<6256xf32, #tpu.memory_space<vmem>>
      %dma_start3A_147 = arith.constant 68816 : i32
      %dma_start3A_148 = tpu.memref_slice %arg3[%dma_start3A_147] : memref<100000xf32, #tpu.memory_space<hbm>> -> memref<6256xf32, #tpu.memory_space<hbm>>
      %dma_start3A_149 = arith.constant 0 : i32
      %dma_start3A_150 = tpu.memref_slice %arg5[%dma_start3A_149] : memref<6256xf32, #tpu.memory_space<vmem>> -> memref<6256xf32, #tpu.memory_space<vmem>>
      %dma_start3A_151 = arith.constant 68816 : i32
      %dma_start3A_152 = tpu.memref_slice %arg3[%dma_start3A_151] : memref<100000xf32, #tpu.memory_space<hbm>> -> memref<6256xf32, #tpu.memory_space<hbm>>
      tpu.enqueue_dma source(%dma_start3A_152 : memref<6256xf32, #tpu.memory_space<hbm>>) target(%dma_start3A_150 : memref<6256xf32, #tpu.memory_space<vmem>>) target_semaphore(%arg9 : memref<!tpu.dma_semaphore, #tpu.memory_space<semaphore_mem>>)
      %dma_wait3A_153 = arith.constant 0 : i32
      %dma_wait3A_154 = tpu.memref_slice %arg5[%dma_wait3A_153] : memref<6256xf32, #tpu.memory_space<vmem>> -> memref<6256xf32, #tpu.memory_space<vmem>>
      %dma_wait3A_155 = arith.constant 68816 : i32
      %dma_wait3A_156 = tpu.memref_slice %arg3[%dma_wait3A_155] : memref<100000xf32, #tpu.memory_space<hbm>> -> memref<6256xf32, #tpu.memory_space<hbm>>
      %dma_wait3A_157 = arith.constant 0 : i32
      %dma_wait3A_158 = tpu.memref_slice %arg5[%dma_wait3A_157] : memref<6256xf32, #tpu.memory_space<vmem>> -> memref<6256xf32, #tpu.memory_space<vmem>>
      %dma_wait3A_159 = arith.constant 68816 : i32
      %dma_wait3A_160 = tpu.memref_slice %arg3[%dma_wait3A_159] : memref<100000xf32, #tpu.memory_space<hbm>> -> memref<6256xf32, #tpu.memory_space<hbm>>
      tpu.wait_dma2 semaphore(%arg9 : memref<!tpu.dma_semaphore, #tpu.memory_space<semaphore_mem>>) src(%dma_wait3A_160 : memref<6256xf32, #tpu.memory_space<hbm>>) dst(%dma_wait3A_158 : memref<6256xf32, #tpu.memory_space<vmem>>)
      %dma_start3A_161 = arith.constant 0 : i32
      %dma_start3A_162 = tpu.memref_slice %arg5[%dma_start3A_161] : memref<6256xf32, #tpu.memory_space<vmem>> -> memref<6256xf32, #tpu.memory_space<vmem>>
      %dma_start3A_163 = arith.constant 68816 : i32
      %dma_start3A_164 = tpu.memref_slice %arg6[%dma_start3A_163] : memref<100000xf32, #tpu.memory_space<vmem_shared>> -> memref<6256xf32, #tpu.memory_space<vmem_shared>>
      %dma_start3A_165 = arith.constant 68816 : i32
      %dma_start3A_166 = tpu.memref_slice %arg6[%dma_start3A_165] : memref<100000xf32, #tpu.memory_space<vmem_shared>> -> memref<6256xf32, #tpu.memory_space<vmem_shared>>
      %dma_start3A_167 = arith.constant 0 : i32
      %dma_start3A_168 = tpu.memref_slice %arg5[%dma_start3A_167] : memref<6256xf32, #tpu.memory_space<vmem>> -> memref<6256xf32, #tpu.memory_space<vmem>>
      tpu.enqueue_dma source(%dma_start3A_168 : memref<6256xf32, #tpu.memory_space<vmem>>) target(%dma_start3A_166 : memref<6256xf32, #tpu.memory_space<vmem_shared>>) target_semaphore(%arg9 : memref<!tpu.dma_semaphore, #tpu.memory_space<semaphore_mem>>)
      %dma_wait3A_169 = arith.constant 0 : i32
      %dma_wait3A_170 = tpu.memref_slice %arg5[%dma_wait3A_169] : memref<6256xf32, #tpu.memory_space<vmem>> -> memref<6256xf32, #tpu.memory_space<vmem>>
      %dma_wait3A_171 = arith.constant 68816 : i32
      %dma_wait3A_172 = tpu.memref_slice %arg6[%dma_wait3A_171] : memref<100000xf32, #tpu.memory_space<vmem_shared>> -> memref<6256xf32, #tpu.memory_space<vmem_shared>>
      %dma_wait3A_173 = arith.constant 68816 : i32
      %dma_wait3A_174 = tpu.memref_slice %arg6[%dma_wait3A_173] : memref<100000xf32, #tpu.memory_space<vmem_shared>> -> memref<6256xf32, #tpu.memory_space<vmem_shared>>
      %dma_wait3A_175 = arith.constant 0 : i32
      %dma_wait3A_176 = tpu.memref_slice %arg5[%dma_wait3A_175] : memref<6256xf32, #tpu.memory_space<vmem>> -> memref<6256xf32, #tpu.memory_space<vmem>>
      tpu.wait_dma2 semaphore(%arg9 : memref<!tpu.dma_semaphore, #tpu.memory_space<semaphore_mem>>) src(%dma_wait3A_176 : memref<6256xf32, #tpu.memory_space<vmem>>) dst(%dma_wait3A_174 : memref<6256xf32, #tpu.memory_space<vmem_shared>>)
    } else {
    }
    %eq3A_72 = arith.constant 12 : i32
    %eq3A_73 = arith.cmpi eq, %arg1, %eq3A_72 : i32
    %convert_element_type3A_74 = arith.extui %eq3A_73 : i1 to i32
    %cond3A_75 = arith.constant 0 : i32
    %cond3A_76 = arith.cmpi ne, %convert_element_type3A_74, %cond3A_75 : i32
    scf.if %cond3A_76 {
      %dma_start3A_145 = arith.constant 0 : i32
      %dma_start3A_146 = tpu.memref_slice %arg5[%dma_start3A_145] : memref<6256xf32, #tpu.memory_space<vmem>> -> memref<6256xf32, #tpu.memory_space<vmem>>
      %dma_start3A_147 = arith.constant 75072 : i32
      %dma_start3A_148 = tpu.memref_slice %arg3[%dma_start3A_147] : memref<100000xf32, #tpu.memory_space<hbm>> -> memref<6256xf32, #tpu.memory_space<hbm>>
      %dma_start3A_149 = arith.constant 0 : i32
      %dma_start3A_150 = tpu.memref_slice %arg5[%dma_start3A_149] : memref<6256xf32, #tpu.memory_space<vmem>> -> memref<6256xf32, #tpu.memory_space<vmem>>
      %dma_start3A_151 = arith.constant 75072 : i32
      %dma_start3A_152 = tpu.memref_slice %arg3[%dma_start3A_151] : memref<100000xf32, #tpu.memory_space<hbm>> -> memref<6256xf32, #tpu.memory_space<hbm>>
      tpu.enqueue_dma source(%dma_start3A_152 : memref<6256xf32, #tpu.memory_space<hbm>>) target(%dma_start3A_150 : memref<6256xf32, #tpu.memory_space<vmem>>) target_semaphore(%arg9 : memref<!tpu.dma_semaphore, #tpu.memory_space<semaphore_mem>>)
      %dma_wait3A_153 = arith.constant 0 : i32
      %dma_wait3A_154 = tpu.memref_slice %arg5[%dma_wait3A_153] : memref<6256xf32, #tpu.memory_space<vmem>> -> memref<6256xf32, #tpu.memory_space<vmem>>
      %dma_wait3A_155 = arith.constant 75072 : i32
      %dma_wait3A_156 = tpu.memref_slice %arg3[%dma_wait3A_155] : memref<100000xf32, #tpu.memory_space<hbm>> -> memref<6256xf32, #tpu.memory_space<hbm>>
      %dma_wait3A_157 = arith.constant 0 : i32
      %dma_wait3A_158 = tpu.memref_slice %arg5[%dma_wait3A_157] : memref<6256xf32, #tpu.memory_space<vmem>> -> memref<6256xf32, #tpu.memory_space<vmem>>
      %dma_wait3A_159 = arith.constant 75072 : i32
      %dma_wait3A_160 = tpu.memref_slice %arg3[%dma_wait3A_159] : memref<100000xf32, #tpu.memory_space<hbm>> -> memref<6256xf32, #tpu.memory_space<hbm>>
      tpu.wait_dma2 semaphore(%arg9 : memref<!tpu.dma_semaphore, #tpu.memory_space<semaphore_mem>>) src(%dma_wait3A_160 : memref<6256xf32, #tpu.memory_space<hbm>>) dst(%dma_wait3A_158 : memref<6256xf32, #tpu.memory_space<vmem>>)
      %dma_start3A_161 = arith.constant 0 : i32
      %dma_start3A_162 = tpu.memref_slice %arg5[%dma_start3A_161] : memref<6256xf32, #tpu.memory_space<vmem>> -> memref<6256xf32, #tpu.memory_space<vmem>>
      %dma_start3A_163 = arith.constant 75072 : i32
      %dma_start3A_164 = tpu.memref_slice %arg6[%dma_start3A_163] : memref<100000xf32, #tpu.memory_space<vmem_shared>> -> memref<6256xf32, #tpu.memory_space<vmem_shared>>
      %dma_start3A_165 = arith.constant 75072 : i32
      %dma_start3A_166 = tpu.memref_slice %arg6[%dma_start3A_165] : memref<100000xf32, #tpu.memory_space<vmem_shared>> -> memref<6256xf32, #tpu.memory_space<vmem_shared>>
      %dma_start3A_167 = arith.constant 0 : i32
      %dma_start3A_168 = tpu.memref_slice %arg5[%dma_start3A_167] : memref<6256xf32, #tpu.memory_space<vmem>> -> memref<6256xf32, #tpu.memory_space<vmem>>
      tpu.enqueue_dma source(%dma_start3A_168 : memref<6256xf32, #tpu.memory_space<vmem>>) target(%dma_start3A_166 : memref<6256xf32, #tpu.memory_space<vmem_shared>>) target_semaphore(%arg9 : memref<!tpu.dma_semaphore, #tpu.memory_space<semaphore_mem>>)
      %dma_wait3A_169 = arith.constant 0 : i32
      %dma_wait3A_170 = tpu.memref_slice %arg5[%dma_wait3A_169] : memref<6256xf32, #tpu.memory_space<vmem>> -> memref<6256xf32, #tpu.memory_space<vmem>>
      %dma_wait3A_171 = arith.constant 75072 : i32
      %dma_wait3A_172 = tpu.memref_slice %arg6[%dma_wait3A_171] : memref<100000xf32, #tpu.memory_space<vmem_shared>> -> memref<6256xf32, #tpu.memory_space<vmem_shared>>
      %dma_wait3A_173 = arith.constant 75072 : i32
      %dma_wait3A_174 = tpu.memref_slice %arg6[%dma_wait3A_173] : memref<100000xf32, #tpu.memory_space<vmem_shared>> -> memref<6256xf32, #tpu.memory_space<vmem_shared>>
      %dma_wait3A_175 = arith.constant 0 : i32
      %dma_wait3A_176 = tpu.memref_slice %arg5[%dma_wait3A_175] : memref<6256xf32, #tpu.memory_space<vmem>> -> memref<6256xf32, #tpu.memory_space<vmem>>
      tpu.wait_dma2 semaphore(%arg9 : memref<!tpu.dma_semaphore, #tpu.memory_space<semaphore_mem>>) src(%dma_wait3A_176 : memref<6256xf32, #tpu.memory_space<vmem>>) dst(%dma_wait3A_174 : memref<6256xf32, #tpu.memory_space<vmem_shared>>)
    } else {
    }
    %eq3A_77 = arith.constant 13 : i32
    %eq3A_78 = arith.cmpi eq, %arg1, %eq3A_77 : i32
    %convert_element_type3A_79 = arith.extui %eq3A_78 : i1 to i32
    %cond3A_80 = arith.constant 0 : i32
    %cond3A_81 = arith.cmpi ne, %convert_element_type3A_79, %cond3A_80 : i32
    scf.if %cond3A_81 {
      %dma_start3A_145 = arith.constant 0 : i32
      %dma_start3A_146 = tpu.memref_slice %arg5[%dma_start3A_145] : memref<6256xf32, #tpu.memory_space<vmem>> -> memref<6256xf32, #tpu.memory_space<vmem>>
      %dma_start3A_147 = arith.constant 81328 : i32
      %dma_start3A_148 = tpu.memref_slice %arg3[%dma_start3A_147] : memref<100000xf32, #tpu.memory_space<hbm>> -> memref<6256xf32, #tpu.memory_space<hbm>>
      %dma_start3A_149 = arith.constant 0 : i32
      %dma_start3A_150 = tpu.memref_slice %arg5[%dma_start3A_149] : memref<6256xf32, #tpu.memory_space<vmem>> -> memref<6256xf32, #tpu.memory_space<vmem>>
      %dma_start3A_151 = arith.constant 81328 : i32
      %dma_start3A_152 = tpu.memref_slice %arg3[%dma_start3A_151] : memref<100000xf32, #tpu.memory_space<hbm>> -> memref<6256xf32, #tpu.memory_space<hbm>>
      tpu.enqueue_dma source(%dma_start3A_152 : memref<6256xf32, #tpu.memory_space<hbm>>) target(%dma_start3A_150 : memref<6256xf32, #tpu.memory_space<vmem>>) target_semaphore(%arg9 : memref<!tpu.dma_semaphore, #tpu.memory_space<semaphore_mem>>)
      %dma_wait3A_153 = arith.constant 0 : i32
      %dma_wait3A_154 = tpu.memref_slice %arg5[%dma_wait3A_153] : memref<6256xf32, #tpu.memory_space<vmem>> -> memref<6256xf32, #tpu.memory_space<vmem>>
      %dma_wait3A_155 = arith.constant 81328 : i32
      %dma_wait3A_156 = tpu.memref_slice %arg3[%dma_wait3A_155] : memref<100000xf32, #tpu.memory_space<hbm>> -> memref<6256xf32, #tpu.memory_space<hbm>>
      %dma_wait3A_157 = arith.constant 0 : i32
      %dma_wait3A_158 = tpu.memref_slice %arg5[%dma_wait3A_157] : memref<6256xf32, #tpu.memory_space<vmem>> -> memref<6256xf32, #tpu.memory_space<vmem>>
      %dma_wait3A_159 = arith.constant 81328 : i32
      %dma_wait3A_160 = tpu.memref_slice %arg3[%dma_wait3A_159] : memref<100000xf32, #tpu.memory_space<hbm>> -> memref<6256xf32, #tpu.memory_space<hbm>>
      tpu.wait_dma2 semaphore(%arg9 : memref<!tpu.dma_semaphore, #tpu.memory_space<semaphore_mem>>) src(%dma_wait3A_160 : memref<6256xf32, #tpu.memory_space<hbm>>) dst(%dma_wait3A_158 : memref<6256xf32, #tpu.memory_space<vmem>>)
      %dma_start3A_161 = arith.constant 0 : i32
      %dma_start3A_162 = tpu.memref_slice %arg5[%dma_start3A_161] : memref<6256xf32, #tpu.memory_space<vmem>> -> memref<6256xf32, #tpu.memory_space<vmem>>
      %dma_start3A_163 = arith.constant 81328 : i32
      %dma_start3A_164 = tpu.memref_slice %arg6[%dma_start3A_163] : memref<100000xf32, #tpu.memory_space<vmem_shared>> -> memref<6256xf32, #tpu.memory_space<vmem_shared>>
      %dma_start3A_165 = arith.constant 81328 : i32
      %dma_start3A_166 = tpu.memref_slice %arg6[%dma_start3A_165] : memref<100000xf32, #tpu.memory_space<vmem_shared>> -> memref<6256xf32, #tpu.memory_space<vmem_shared>>
      %dma_start3A_167 = arith.constant 0 : i32
      %dma_start3A_168 = tpu.memref_slice %arg5[%dma_start3A_167] : memref<6256xf32, #tpu.memory_space<vmem>> -> memref<6256xf32, #tpu.memory_space<vmem>>
      tpu.enqueue_dma source(%dma_start3A_168 : memref<6256xf32, #tpu.memory_space<vmem>>) target(%dma_start3A_166 : memref<6256xf32, #tpu.memory_space<vmem_shared>>) target_semaphore(%arg9 : memref<!tpu.dma_semaphore, #tpu.memory_space<semaphore_mem>>)
      %dma_wait3A_169 = arith.constant 0 : i32
      %dma_wait3A_170 = tpu.memref_slice %arg5[%dma_wait3A_169] : memref<6256xf32, #tpu.memory_space<vmem>> -> memref<6256xf32, #tpu.memory_space<vmem>>
      %dma_wait3A_171 = arith.constant 81328 : i32
      %dma_wait3A_172 = tpu.memref_slice %arg6[%dma_wait3A_171] : memref<100000xf32, #tpu.memory_space<vmem_shared>> -> memref<6256xf32, #tpu.memory_space<vmem_shared>>
      %dma_wait3A_173 = arith.constant 81328 : i32
      %dma_wait3A_174 = tpu.memref_slice %arg6[%dma_wait3A_173] : memref<100000xf32, #tpu.memory_space<vmem_shared>> -> memref<6256xf32, #tpu.memory_space<vmem_shared>>
      %dma_wait3A_175 = arith.constant 0 : i32
      %dma_wait3A_176 = tpu.memref_slice %arg5[%dma_wait3A_175] : memref<6256xf32, #tpu.memory_space<vmem>> -> memref<6256xf32, #tpu.memory_space<vmem>>
      tpu.wait_dma2 semaphore(%arg9 : memref<!tpu.dma_semaphore, #tpu.memory_space<semaphore_mem>>) src(%dma_wait3A_176 : memref<6256xf32, #tpu.memory_space<vmem>>) dst(%dma_wait3A_174 : memref<6256xf32, #tpu.memory_space<vmem_shared>>)
    } else {
    }
    %eq3A_82 = arith.constant 14 : i32
    %eq3A_83 = arith.cmpi eq, %arg1, %eq3A_82 : i32
    %convert_element_type3A_84 = arith.extui %eq3A_83 : i1 to i32
    %cond3A_85 = arith.constant 0 : i32
    %cond3A_86 = arith.cmpi ne, %convert_element_type3A_84, %cond3A_85 : i32
    scf.if %cond3A_86 {
      %dma_start3A_145 = arith.constant 0 : i32
      %dma_start3A_146 = tpu.memref_slice %arg5[%dma_start3A_145] : memref<6256xf32, #tpu.memory_space<vmem>> -> memref<6256xf32, #tpu.memory_space<vmem>>
      %dma_start3A_147 = arith.constant 87584 : i32
      %dma_start3A_148 = tpu.memref_slice %arg3[%dma_start3A_147] : memref<100000xf32, #tpu.memory_space<hbm>> -> memref<6256xf32, #tpu.memory_space<hbm>>
      %dma_start3A_149 = arith.constant 0 : i32
      %dma_start3A_150 = tpu.memref_slice %arg5[%dma_start3A_149] : memref<6256xf32, #tpu.memory_space<vmem>> -> memref<6256xf32, #tpu.memory_space<vmem>>
      %dma_start3A_151 = arith.constant 87584 : i32
      %dma_start3A_152 = tpu.memref_slice %arg3[%dma_start3A_151] : memref<100000xf32, #tpu.memory_space<hbm>> -> memref<6256xf32, #tpu.memory_space<hbm>>
      tpu.enqueue_dma source(%dma_start3A_152 : memref<6256xf32, #tpu.memory_space<hbm>>) target(%dma_start3A_150 : memref<6256xf32, #tpu.memory_space<vmem>>) target_semaphore(%arg9 : memref<!tpu.dma_semaphore, #tpu.memory_space<semaphore_mem>>)
      %dma_wait3A_153 = arith.constant 0 : i32
      %dma_wait3A_154 = tpu.memref_slice %arg5[%dma_wait3A_153] : memref<6256xf32, #tpu.memory_space<vmem>> -> memref<6256xf32, #tpu.memory_space<vmem>>
      %dma_wait3A_155 = arith.constant 87584 : i32
      %dma_wait3A_156 = tpu.memref_slice %arg3[%dma_wait3A_155] : memref<100000xf32, #tpu.memory_space<hbm>> -> memref<6256xf32, #tpu.memory_space<hbm>>
      %dma_wait3A_157 = arith.constant 0 : i32
      %dma_wait3A_158 = tpu.memref_slice %arg5[%dma_wait3A_157] : memref<6256xf32, #tpu.memory_space<vmem>> -> memref<6256xf32, #tpu.memory_space<vmem>>
      %dma_wait3A_159 = arith.constant 87584 : i32
      %dma_wait3A_160 = tpu.memref_slice %arg3[%dma_wait3A_159] : memref<100000xf32, #tpu.memory_space<hbm>> -> memref<6256xf32, #tpu.memory_space<hbm>>
      tpu.wait_dma2 semaphore(%arg9 : memref<!tpu.dma_semaphore, #tpu.memory_space<semaphore_mem>>) src(%dma_wait3A_160 : memref<6256xf32, #tpu.memory_space<hbm>>) dst(%dma_wait3A_158 : memref<6256xf32, #tpu.memory_space<vmem>>)
      %dma_start3A_161 = arith.constant 0 : i32
      %dma_start3A_162 = tpu.memref_slice %arg5[%dma_start3A_161] : memref<6256xf32, #tpu.memory_space<vmem>> -> memref<6256xf32, #tpu.memory_space<vmem>>
      %dma_start3A_163 = arith.constant 87584 : i32
      %dma_start3A_164 = tpu.memref_slice %arg6[%dma_start3A_163] : memref<100000xf32, #tpu.memory_space<vmem_shared>> -> memref<6256xf32, #tpu.memory_space<vmem_shared>>
      %dma_start3A_165 = arith.constant 87584 : i32
      %dma_start3A_166 = tpu.memref_slice %arg6[%dma_start3A_165] : memref<100000xf32, #tpu.memory_space<vmem_shared>> -> memref<6256xf32, #tpu.memory_space<vmem_shared>>
      %dma_start3A_167 = arith.constant 0 : i32
      %dma_start3A_168 = tpu.memref_slice %arg5[%dma_start3A_167] : memref<6256xf32, #tpu.memory_space<vmem>> -> memref<6256xf32, #tpu.memory_space<vmem>>
      tpu.enqueue_dma source(%dma_start3A_168 : memref<6256xf32, #tpu.memory_space<vmem>>) target(%dma_start3A_166 : memref<6256xf32, #tpu.memory_space<vmem_shared>>) target_semaphore(%arg9 : memref<!tpu.dma_semaphore, #tpu.memory_space<semaphore_mem>>)
      %dma_wait3A_169 = arith.constant 0 : i32
      %dma_wait3A_170 = tpu.memref_slice %arg5[%dma_wait3A_169] : memref<6256xf32, #tpu.memory_space<vmem>> -> memref<6256xf32, #tpu.memory_space<vmem>>
      %dma_wait3A_171 = arith.constant 87584 : i32
      %dma_wait3A_172 = tpu.memref_slice %arg6[%dma_wait3A_171] : memref<100000xf32, #tpu.memory_space<vmem_shared>> -> memref<6256xf32, #tpu.memory_space<vmem_shared>>
      %dma_wait3A_173 = arith.constant 87584 : i32
      %dma_wait3A_174 = tpu.memref_slice %arg6[%dma_wait3A_173] : memref<100000xf32, #tpu.memory_space<vmem_shared>> -> memref<6256xf32, #tpu.memory_space<vmem_shared>>
      %dma_wait3A_175 = arith.constant 0 : i32
      %dma_wait3A_176 = tpu.memref_slice %arg5[%dma_wait3A_175] : memref<6256xf32, #tpu.memory_space<vmem>> -> memref<6256xf32, #tpu.memory_space<vmem>>
      tpu.wait_dma2 semaphore(%arg9 : memref<!tpu.dma_semaphore, #tpu.memory_space<semaphore_mem>>) src(%dma_wait3A_176 : memref<6256xf32, #tpu.memory_space<vmem>>) dst(%dma_wait3A_174 : memref<6256xf32, #tpu.memory_space<vmem_shared>>)
    } else {
    }
    %eq3A_87 = arith.constant 15 : i32
    %eq3A_88 = arith.cmpi eq, %arg1, %eq3A_87 : i32
    %convert_element_type3A_89 = arith.extui %eq3A_88 : i1 to i32
    %cond3A_90 = arith.constant 0 : i32
    %cond3A_91 = arith.cmpi ne, %convert_element_type3A_89, %cond3A_90 : i32
    scf.if %cond3A_91 {
      %dma_start3A_145 = arith.constant 0 : i32
      %dma_start3A_146 = tpu.memref_slice %arg5[%dma_start3A_145] : memref<6256xf32, #tpu.memory_space<vmem>> -> memref<6160xf32, #tpu.memory_space<vmem>>
      %dma_start3A_147 = arith.constant 93840 : i32
      %dma_start3A_148 = tpu.memref_slice %arg3[%dma_start3A_147] : memref<100000xf32, #tpu.memory_space<hbm>> -> memref<6160xf32, #tpu.memory_space<hbm>>
      %dma_start3A_149 = arith.constant 0 : i32
      %dma_start3A_150 = tpu.memref_slice %arg5[%dma_start3A_149] : memref<6256xf32, #tpu.memory_space<vmem>> -> memref<6160xf32, #tpu.memory_space<vmem>>
      %dma_start3A_151 = arith.constant 93840 : i32
      %dma_start3A_152 = tpu.memref_slice %arg3[%dma_start3A_151] : memref<100000xf32, #tpu.memory_space<hbm>> -> memref<6160xf32, #tpu.memory_space<hbm>>
      tpu.enqueue_dma source(%dma_start3A_152 : memref<6160xf32, #tpu.memory_space<hbm>>) target(%dma_start3A_150 : memref<6160xf32, #tpu.memory_space<vmem>>) target_semaphore(%arg9 : memref<!tpu.dma_semaphore, #tpu.memory_space<semaphore_mem>>)
      %dma_wait3A_153 = arith.constant 0 : i32
      %dma_wait3A_154 = tpu.memref_slice %arg5[%dma_wait3A_153] : memref<6256xf32, #tpu.memory_space<vmem>> -> memref<6160xf32, #tpu.memory_space<vmem>>
      %dma_wait3A_155 = arith.constant 93840 : i32
      %dma_wait3A_156 = tpu.memref_slice %arg3[%dma_wait3A_155] : memref<100000xf32, #tpu.memory_space<hbm>> -> memref<6160xf32, #tpu.memory_space<hbm>>
      %dma_wait3A_157 = arith.constant 0 : i32
      %dma_wait3A_158 = tpu.memref_slice %arg5[%dma_wait3A_157] : memref<6256xf32, #tpu.memory_space<vmem>> -> memref<6160xf32, #tpu.memory_space<vmem>>
      %dma_wait3A_159 = arith.constant 93840 : i32
      %dma_wait3A_160 = tpu.memref_slice %arg3[%dma_wait3A_159] : memref<100000xf32, #tpu.memory_space<hbm>> -> memref<6160xf32, #tpu.memory_space<hbm>>
      tpu.wait_dma2 semaphore(%arg9 : memref<!tpu.dma_semaphore, #tpu.memory_space<semaphore_mem>>) src(%dma_wait3A_160 : memref<6160xf32, #tpu.memory_space<hbm>>) dst(%dma_wait3A_158 : memref<6160xf32, #tpu.memory_space<vmem>>)
      %dma_start3A_161 = arith.constant 0 : i32
      %dma_start3A_162 = tpu.memref_slice %arg5[%dma_start3A_161] : memref<6256xf32, #tpu.memory_space<vmem>> -> memref<6160xf32, #tpu.memory_space<vmem>>
      %dma_start3A_163 = arith.constant 93840 : i32
      %dma_start3A_164 = tpu.memref_slice %arg6[%dma_start3A_163] : memref<100000xf32, #tpu.memory_space<vmem_shared>> -> memref<6160xf32, #tpu.memory_space<vmem_shared>>
      %dma_start3A_165 = arith.constant 93840 : i32
      %dma_start3A_166 = tpu.memref_slice %arg6[%dma_start3A_165] : memref<100000xf32, #tpu.memory_space<vmem_shared>> -> memref<6160xf32, #tpu.memory_space<vmem_shared>>
      %dma_start3A_167 = arith.constant 0 : i32
      %dma_start3A_168 = tpu.memref_slice %arg5[%dma_start3A_167] : memref<6256xf32, #tpu.memory_space<vmem>> -> memref<6160xf32, #tpu.memory_space<vmem>>
      tpu.enqueue_dma source(%dma_start3A_168 : memref<6160xf32, #tpu.memory_space<vmem>>) target(%dma_start3A_166 : memref<6160xf32, #tpu.memory_space<vmem_shared>>) target_semaphore(%arg9 : memref<!tpu.dma_semaphore, #tpu.memory_space<semaphore_mem>>)
      %dma_wait3A_169 = arith.constant 0 : i32
      %dma_wait3A_170 = tpu.memref_slice %arg5[%dma_wait3A_169] : memref<6256xf32, #tpu.memory_space<vmem>> -> memref<6160xf32, #tpu.memory_space<vmem>>
      %dma_wait3A_171 = arith.constant 93840 : i32
      %dma_wait3A_172 = tpu.memref_slice %arg6[%dma_wait3A_171] : memref<100000xf32, #tpu.memory_space<vmem_shared>> -> memref<6160xf32, #tpu.memory_space<vmem_shared>>
      %dma_wait3A_173 = arith.constant 93840 : i32
      %dma_wait3A_174 = tpu.memref_slice %arg6[%dma_wait3A_173] : memref<100000xf32, #tpu.memory_space<vmem_shared>> -> memref<6160xf32, #tpu.memory_space<vmem_shared>>
      %dma_wait3A_175 = arith.constant 0 : i32
      %dma_wait3A_176 = tpu.memref_slice %arg5[%dma_wait3A_175] : memref<6256xf32, #tpu.memory_space<vmem>> -> memref<6160xf32, #tpu.memory_space<vmem>>
      tpu.wait_dma2 semaphore(%arg9 : memref<!tpu.dma_semaphore, #tpu.memory_space<semaphore_mem>>) src(%dma_wait3A_176 : memref<6160xf32, #tpu.memory_space<vmem>>) dst(%dma_wait3A_174 : memref<6160xf32, #tpu.memory_space<vmem_shared>>)
    } else {
    }
    %barrier3A = arith.constant 0 : index
    tpu.barrier barrier_id(%barrier3A)
    %dma_wait3A = arith.constant 0 : i32
    %dma_wait3A_92 = arith.constant 0 : i32
    %dma_wait3A_93 = arith.constant 0 : i32
    %dma_wait3A_94 = tpu.memref_slice %arg7[%dma_wait3A, %dma_wait3A_92, %dma_wait3A_93] : memref<2x200x128xi32, #tpu.memory_space<vmem>> -> memref<1x200x128xi32, #tpu.memory_space<vmem>>
    %dma_wait3A_95 = tpu.memref_squeeze %dma_wait3A_94 : memref<1x200x128xi32, #tpu.memory_space<vmem>> -> memref<200x128xi32, #tpu.memory_space<vmem>>
    %dma_wait3A_96 = arith.constant 0 : i32
    %dma_wait3A_97 = tpu.memref_slice %arg2[%dma_wait3A_96, %mul3A_2] : memref<200x4096xi32, #tpu.memory_space<hbm>> -> memref<200x128xi32, #tpu.memory_space<hbm>>
    %dma_wait3A_98 = arith.constant 0 : i32
    %dma_wait3A_99 = arith.constant 0 : i32
    %dma_wait3A_100 = tpu.memref_slice %arg7[%dma_wait3A, %dma_wait3A_98, %dma_wait3A_99] : memref<2x200x128xi32, #tpu.memory_space<vmem>> -> memref<1x200x128xi32, #tpu.memory_space<vmem>>
    %dma_wait3A_101 = tpu.memref_squeeze %dma_wait3A_100 : memref<1x200x128xi32, #tpu.memory_space<vmem>> -> memref<200x128xi32, #tpu.memory_space<vmem>>
    %dma_wait3A_102 = arith.constant 0 : i32
    %dma_wait3A_103 = tpu.memref_slice %arg2[%dma_wait3A_102, %mul3A_2] : memref<200x4096xi32, #tpu.memory_space<hbm>> -> memref<200x128xi32, #tpu.memory_space<hbm>>
    tpu.wait_dma2 semaphore(%arg11 : memref<!tpu.dma_semaphore, #tpu.memory_space<semaphore_mem>>) src(%dma_wait3A_103 : memref<200x128xi32, #tpu.memory_space<hbm>>) dst(%dma_wait3A_101 : memref<200x128xi32, #tpu.memory_space<vmem>>)
    %parallel_loop3A = arith.constant 0 : i32
    %parallel_loop3A_104 = arith.constant 200 : i32
    %parallel_loop3A_105 = arith.constant 1 : i32
    scf.for %parallel_loop3A_145 = %parallel_loop3A to %parallel_loop3A_104 step %parallel_loop3A_105  : i32 {
      %parallel_loop3A_146 = arith.constant 0 : i32
      %parallel_loop3A_147 = arith.constant 0 : i32
      %parallel_loop3A_148 = arith.constant 0 : i32
      %parallel_loop3A_149 = tpu.memref_slice %arg8[%parallel_loop3A_147, %parallel_loop3A_145, %parallel_loop3A_148] : memref<2x200x128xf32, #tpu.memory_space<vmem>> -> memref<1x1x128xf32, #tpu.memory_space<vmem>>
      %parallel_loop3A_150 = tpu.memref_squeeze %parallel_loop3A_149 : memref<1x1x128xf32, #tpu.memory_space<vmem>> -> memref<128xf32, #tpu.memory_space<vmem>>
      %parallel_loop3A_151 = arith.constant 0 : i32
      %parallel_loop3A_152 = tpu.memref_slice %arg7[%parallel_loop3A_146, %parallel_loop3A_145, %parallel_loop3A_151] : memref<2x200x128xi32, #tpu.memory_space<vmem>> -> memref<1x1x128xi32, #tpu.memory_space<vmem>>
      %parallel_loop3A_153 = tpu.memref_squeeze %parallel_loop3A_152 : memref<1x1x128xi32, #tpu.memory_space<vmem>> -> memref<128xi32, #tpu.memory_space<vmem>>
      %parallel_loop3A_154 = arith.constant 0 : i32
      %parallel_loop3A_155 = tpu.memref_slice %arg6[%parallel_loop3A_154] : memref<100000xf32, #tpu.memory_space<vmem_shared>> -> memref<100000xf32, #tpu.memory_space<vmem_shared>>
      tpu.enqueue_indirect_dma source(%parallel_loop3A_155 : memref<100000xf32, #tpu.memory_space<vmem_shared>>) target(%parallel_loop3A_150 : memref<128xf32, #tpu.memory_space<vmem>>) offsets(%parallel_loop3A_153 : memref<128xi32, #tpu.memory_space<vmem>>) semaphore(%arg10 : memref<!tpu.dma_semaphore, #tpu.memory_space<semaphore_mem>>)
    } {sc.loop_unroll_factor = 4 : i64, sc.parallel_access}
    %dma_wait3A_106 = arith.constant 0 : i32
    %dma_wait3A_107 = arith.constant 0 : i32
    %dma_wait3A_108 = arith.constant 0 : i32
    %dma_wait3A_109 = tpu.memref_slice %arg8[%dma_wait3A_106, %dma_wait3A_107, %dma_wait3A_108] : memref<2x200x128xf32, #tpu.memory_space<vmem>> -> memref<1x200x128xf32, #tpu.memory_space<vmem>>
    %dma_wait3A_110 = tpu.memref_squeeze %dma_wait3A_109 : memref<1x200x128xf32, #tpu.memory_space<vmem>> -> memref<200x128xf32, #tpu.memory_space<vmem>>
    %dma_wait3A_111 = arith.constant 0 : i32
    %dma_wait3A_112 = tpu.memref_slice %arg4[%dma_wait3A_111, %mul3A_2] : memref<200x4096xf32, #tpu.memory_space<hbm>> -> memref<200x128xf32, #tpu.memory_space<hbm>>
    %dma_wait3A_113 = arith.constant 0 : i32
    %dma_wait3A_114 = arith.constant 0 : i32
    %dma_wait3A_115 = tpu.memref_slice %arg8[%dma_wait3A_106, %dma_wait3A_113, %dma_wait3A_114] : memref<2x200x128xf32, #tpu.memory_space<vmem>> -> memref<1x200x128xf32, #tpu.memory_space<vmem>>
    %dma_wait3A_116 = tpu.memref_squeeze %dma_wait3A_115 : memref<1x200x128xf32, #tpu.memory_space<vmem>> -> memref<200x128xf32, #tpu.memory_space<vmem>>
    %dma_wait3A_117 = arith.constant 0 : i32
    %dma_wait3A_118 = tpu.memref_slice %arg4[%dma_wait3A_117, %mul3A_2] : memref<200x4096xf32, #tpu.memory_space<hbm>> -> memref<200x128xf32, #tpu.memory_space<hbm>>
    tpu.wait_dma2 semaphore(%arg10 : memref<!tpu.dma_semaphore, #tpu.memory_space<semaphore_mem>>) src(%dma_wait3A_118 : memref<200x128xf32, #tpu.memory_space<hbm>>) dst(%dma_wait3A_116 : memref<200x128xf32, #tpu.memory_space<vmem>>)
    %dma_start3A_119 = arith.constant 0 : i32
    %dma_start3A_120 = arith.constant 0 : i32
    %dma_start3A_121 = arith.constant 0 : i32
    %dma_start3A_122 = tpu.memref_slice %arg8[%dma_start3A_119, %dma_start3A_120, %dma_start3A_121] : memref<2x200x128xf32, #tpu.memory_space<vmem>> -> memref<1x200x128xf32, #tpu.memory_space<vmem>>
    %dma_start3A_123 = tpu.memref_squeeze %dma_start3A_122 : memref<1x200x128xf32, #tpu.memory_space<vmem>> -> memref<200x128xf32, #tpu.memory_space<vmem>>
    %dma_start3A_124 = arith.constant 0 : i32
    %dma_start3A_125 = tpu.memref_slice %arg4[%dma_start3A_124, %mul3A_2] : memref<200x4096xf32, #tpu.memory_space<hbm>> -> memref<200x128xf32, #tpu.memory_space<hbm>>
    %dma_start3A_126 = arith.constant 0 : i32
    %dma_start3A_127 = tpu.memref_slice %arg4[%dma_start3A_126, %mul3A_2] : memref<200x4096xf32, #tpu.memory_space<hbm>> -> memref<200x128xf32, #tpu.memory_space<hbm>>
    %dma_start3A_128 = arith.constant 0 : i32
    %dma_start3A_129 = arith.constant 0 : i32
    %dma_start3A_130 = tpu.memref_slice %arg8[%dma_start3A_119, %dma_start3A_128, %dma_start3A_129] : memref<2x200x128xf32, #tpu.memory_space<vmem>> -> memref<1x200x128xf32, #tpu.memory_space<vmem>>
    %dma_start3A_131 = tpu.memref_squeeze %dma_start3A_130 : memref<1x200x128xf32, #tpu.memory_space<vmem>> -> memref<200x128xf32, #tpu.memory_space<vmem>>
    tpu.enqueue_dma source(%dma_start3A_131 : memref<200x128xf32, #tpu.memory_space<vmem>>) target(%dma_start3A_127 : memref<200x128xf32, #tpu.memory_space<hbm>>) target_semaphore(%arg13 : memref<!tpu.dma_semaphore, #tpu.memory_space<semaphore_mem>>)
    %dma_wait3A_132 = arith.constant 0 : i32
    %dma_wait3A_133 = arith.constant 0 : i32
    %dma_wait3A_134 = arith.constant 0 : i32
    %dma_wait3A_135 = tpu.memref_slice %arg8[%dma_wait3A_132, %dma_wait3A_133, %dma_wait3A_134] : memref<2x200x128xf32, #tpu.memory_space<vmem>> -> memref<1x200x128xf32, #tpu.memory_space<vmem>>
    %dma_wait3A_136 = tpu.memref_squeeze %dma_wait3A_135 : memref<1x200x128xf32, #tpu.memory_space<vmem>> -> memref<200x128xf32, #tpu.memory_space<vmem>>
    %dma_wait3A_137 = arith.constant 0 : i32
    %dma_wait3A_138 = tpu.memref_slice %arg4[%dma_wait3A_137, %mul3A_2] : memref<200x4096xf32, #tpu.memory_space<hbm>> -> memref<200x128xf32, #tpu.memory_space<hbm>>
    %dma_wait3A_139 = arith.constant 0 : i32
    %dma_wait3A_140 = tpu.memref_slice %arg4[%dma_wait3A_139, %mul3A_2] : memref<200x4096xf32, #tpu.memory_space<hbm>> -> memref<200x128xf32, #tpu.memory_space<hbm>>
    %dma_wait3A_141 = arith.constant 0 : i32
    %dma_wait3A_142 = arith.constant 0 : i32
    %dma_wait3A_143 = tpu.memref_slice %arg8[%dma_wait3A_132, %dma_wait3A_141, %dma_wait3A_142] : memref<2x200x128xf32, #tpu.memory_space<vmem>> -> memref<1x200x128xf32, #tpu.memory_space<vmem>>
    %dma_wait3A_144 = tpu.memref_squeeze %dma_wait3A_143 : memref<1x200x128xf32, #tpu.memory_space<vmem>> -> memref<200x128xf32, #tpu.memory_space<vmem>>
    tpu.wait_dma2 semaphore(%arg13 : memref<!tpu.dma_semaphore, #tpu.memory_space<semaphore_mem>>) src(%dma_wait3A_144 : memref<200x128xf32, #tpu.memory_space<vmem>>) dst(%dma_wait3A_140 : memref<200x128xf32, #tpu.memory_space<hbm>>)
    return
  }
}

</mosaic_0001>

<sc_bundles>
// kernel: kernel.3.cloned.1.call-start
scs
__scs_entry_jumppad:
0x0: {  	(pc) =	sbr.rel $0x88, $3  }
0x1: {  	(tag) =	ssettag $0x0;
	lr =	simm.s32 $0x1  }
0x2: {  	[smem:$0x3F9F] =	sst lr;
	_ =	strace $0xD0000000  }
0x3: {  	_ = 	snop  }
0x4: {  	_ = 	snop  }
0x5: {  	_ = 	snop  }
0x6: {  	_ = 	snop  }
0x7: {  	_ = 	snop  }
__scs_overlays_trampoline_lowered:
0x8: {  	[smem:$0x3FAE] =	sst s0  }
0x9: {  	[smem:$0x3FAF] =	sst s1  }
0xa: {  	[smem:$0x3FB0] =	sst s2  }
0xb: {  	[smem:$0x3FB1] =	sst s3  }
0xc: {  	[smem:$0x3FB2] =	sst s4  }
0xd: {  	[smem:$0x3FB3] =	sst s5  }
0xe: {  	[smem:$0x3FB4] =	sst s6  }
0xf: {  	[smem:$0x3FB5] =	sst s7  }
0x10: {  	[smem:$0x3FB6] =	sst s8  }
0x11: {  	[smem:$0x3FB7] =	sst s9;
	s0 =	simm.s32 @!p0 $0x0  }
0x12: {  	s1 =	sld [smem:$0x3F9D];
	s0 =	simm.s32 @p0 $0x1  }
0x13: {  	[smem:$0x3FB8] =	sst s0;
	s0 =	simm.s32 @!p1 $0x0  }
0x14: {  	s2 =	sld [smem:$0x3F9C];
	s0 =	simm.s32 @p1 $0x1  }
0x15: {  	[smem:$0x3FB9] =	sst s0;
	s0 =	simm.s32 @!p2 $0x0  }
0x16: {  	s3 =	sld [smem:$0x3FDB];
	s0 =	simm.s32 @p2 $0x1  }
0x17: {  	s4 =	simm.s32 $0x1BF5;
	[smem:$0x3FBB] =	sst s0  }
0x18: {  	s0 =	sld [smem:$0x3F9E];
	_ =	swait.ge [sflag:s4], $0x0  }
0x19: {  	s7 =	sld [smem:$0x3F9F]  }
0x1a: {  	s8 =	sadd.s32 $0xFFFFE003, lr  }
0x1b: {  	s9 =	sadd.s32 $0xFFFFFEF7, lr;
	s5 =	simm.s32 $0xFFFFFFFF;
	p2 =	slt.u32 s8, $0xFFFFF086  }
0x1c: {  	p1 =	slt.u32 s9, $0xF7A;
	s5 =	simm.s32 @!p2 $0x0  }
0x1d: {  	s5 =	simm.s32 @p1 $0x1;
	p0 =	seq.s32 s7, s2  }
0x1e: {  	s7 =	smul.u32 @!p0 $0xF7A, s2;
	p2 =	seq.s32 @!p0 s5, $0x0  }
0x1f: {  	s9 =	smul.u32 $0xF7A, s1;
	s8 =	simm.s32 @!p0 $0x1BF5;
	p2 =	por !p2, p0  }
0x20: {  	[sflag:s8] =	ssyncset.s32 @!p0 $0xFFFFF086;
	s6 =	sadd.s32 @!p0 s3, s7;
	s7 =	simm.s32 @!p0 $0x108  }
0x21: {  	s3 =	sadd.s32 s3, s9;
	s6 =	sadd.s32 @!p0 $0x88, s6;
	s7 =	simm.s32 @p2 $0x1082  }
0x22: {  	[simem:s7], [sflag:s8] =	dma.local @!p0 [hbm:s6], $0xF7A  }
0x23: {  	s9 =	sor.u32 $0xD0000000, s2;
	s6 =	simm.s32 $0x108;
	_ =	swait.ge @!p0 [sflag:s8], $0x0  }
0x24: {  	s3 =	sadd.s32 $0x88, s3;
	s6 =	simm.s32 @!p1 $0x1082;
	[sflag:s4] =	ssyncset.s32 $0xFFFFF086  }
0x25: {  	[simem:s6], [sflag:s4] =	dma.local [hbm:s3], $0xF7A  }
0x26: {  	[smem:$0x3F9F] =	sst s1;
	(tag) =	ssettag s2;
	_ =	strace s9  }
0x27: {  	s1 =	sld [smem:$0x3FAF]  }
0x28: {  	s2 =	sld [smem:$0x3FB0]  }
0x29: {  	s4 =	sld [smem:$0x3FB2]  }
0x2a: {  	p0 =	seq.s32 s5, $0x0;
	s5 =	sld [smem:$0x3FB3]  }
0x2b: {  	s6 =	sld [smem:$0x3FB4]  }
0x2c: {  	s7 =	sld [smem:$0x3FB5]  }
0x2d: {  	s3 =	simm.s32 $0x108;
	s8 =	sld [smem:$0x3FB6]  }
0x2e: {  	s3 =	simm.s32 @!p0 $0x1082;
	s9 =	sld [smem:$0x3FB7]  }
0x2f: {  	lr =	sadd.s32 s0, s3;
	s0 =	sld [smem:$0x3FAE]  }
0x30: {  	s3 =	sld [smem:$0x3FB1]  }
0x31: {  	[smem:$0x3FBA] =	sst s10  }
0x32: {  	s10 =	sld [smem:$0x3FB8];
	_ =	sdelay $0x3  }
0x33: {  	p0 =	seq.s32 s10, $0x1;
	s10 =	sld [smem:$0x3FBA];
	_ =	sdelay $0x3  }
0x34: {  	[smem:$0x3FBA] =	sst s10  }
0x35: {  	s10 =	sld [smem:$0x3FB9];
	_ =	sdelay $0x3  }
0x36: {  	p1 =	seq.s32 s10, $0x1;
	s10 =	sld [smem:$0x3FBA];
	_ =	sdelay $0x3  }
0x37: {  	[smem:$0x3FBA] =	sst s10  }
0x38: {  	s10 =	sld [smem:$0x3FBB]  }
0x39: {  	_ = 	snop;
	(pc) =	sbr.ind lr, $3  }
0x3a: {  	_ = 	snop  }
0x3b: {  	_ = 	snop  }
0x3c: {  	p2 =	seq.s32 s10, $0x1;
	s10 =	sld [smem:$0x3FBA]  }
0x3d: {  	_ =	shalt  }
0x3e: {  	_ =	shalt  }
0x3f: {  	_ =	shalt  }
0x40: {  	_ =	shalt  }
0x41: {  	_ =	shalt  }
0x42: {  	_ =	shalt  }
0x43: {  	_ =	shalt  }
0x44: {  	_ =	shalt  }
0x45: {  	_ =	shalt  }
0x46: {  	_ =	shalt  }
0x47: {  	_ =	shalt  }
0x48: {  	_ =	shalt  }
0x49: {  	_ =	shalt  }
0x4a: {  	_ =	shalt  }
0x4b: {  	_ =	shalt  }
0x4c: {  	_ =	shalt  }
0x4d: {  	_ =	shalt  }
0x4e: {  	_ =	shalt  }
0x4f: {  	_ =	shalt  }
0x50: {  	_ =	shalt  }
0x51: {  	_ =	shalt  }
0x52: {  	_ =	shalt  }
0x53: {  	_ =	shalt  }
0x54: {  	_ =	shalt  }
0x55: {  	_ =	shalt  }
0x56: {  	_ =	shalt  }
0x57: {  	_ =	shalt  }
0x58: {  	_ =	shalt  }
0x59: {  	_ =	shalt  }
0x5a: {  	_ =	shalt  }
0x5b: {  	_ =	shalt  }
0x5c: {  	_ =	shalt  }
0x5d: {  	_ =	shalt  }
0x5e: {  	_ =	shalt  }
0x5f: {  	_ =	shalt  }
0x60: {  	_ =	shalt  }
0x61: {  	_ =	shalt  }
0x62: {  	_ =	shalt  }
0x63: {  	_ =	shalt  }
0x64: {  	_ =	shalt  }
0x65: {  	_ =	shalt  }
0x66: {  	_ =	shalt  }
0x67: {  	_ =	shalt  }
0x68: {  	_ =	shalt  }
0x69: {  	_ =	shalt  }
0x6a: {  	_ =	shalt  }
0x6b: {  	_ =	shalt  }
0x6c: {  	_ =	shalt  }
0x6d: {  	_ =	shalt  }
0x6e: {  	_ =	shalt  }
0x6f: {  	_ =	shalt  }
0x70: {  	_ =	shalt  }
0x71: {  	_ =	shalt  }
0x72: {  	_ =	shalt  }
0x73: {  	_ =	shalt  }
0x74: {  	_ =	shalt  }
0x75: {  	_ =	shalt  }
0x76: {  	_ =	shalt  }
0x77: {  	_ =	shalt  }
0x78: {  	_ =	shalt  }
0x79: {  	_ =	shalt  }
0x7a: {  	_ =	shalt  }
0x7b: {  	_ =	shalt  }
0x7c: {  	_ =	shalt  }
0x7d: {  	_ =	shalt  }
0x7e: {  	_ =	shalt  }
0x7f: {  	_ =	shalt  }
0x80: {  	_ =	shalt  }
0x81: {  	_ =	shalt  }
0x82: {  	_ =	shalt  }
0x83: {  	_ =	shalt  }
0x84: {  	_ =	shalt  }
0x85: {  	_ =	shalt  }
0x86: {  	_ =	shalt  }
0x87: {  	_ =	shalt  }
.Lfunc_end0:
.L_simem_size_0:
called_computation_lowered:
.L_overlay_start_0:
0x88: {  	s2 =	sld [smem:$0x3FD9]  }
0x89: {  	s3 =	sld [smem:$0x3FFE];
	_ =	sdelay $0x1  }
0x8a: {  	s1 =	srdreg.scid  }
0x8b: {  	s0 =	sand.u32 $0x1, s1  }
0x8c: {  	s18 =	sshll.u32 s0, $0xA;
	s2 =	sadd.s32 s3, s2  }
0x8d: {  	s2 =	sadd.s32 s2, s18  }
0x8e: {  	[smem:$0x3FC6] =	sst s2  }
0x8f: {  	_ = 	snop  }
0x90: {  	s2 =	sld [smem:$0x3FC9]  }
0x91: {  	s19 =	sld [smem:$0x3FC8]  }
0x92: {  	s4 =	sld [smem:$0x3FD0];
	(tm) =	ssettm $0x1  }
0x93: {  	s5 =	sld [smem:$0x3FFB];
	_ =	sdelay $0x3  }
0x94: {  	_ =	strace s5  }
0x95: {  	s5 =	sld [smem:$0x3FFC];
	_ =	sdelay $0x3  }
0x96: {  	_ =	strace s5  }
0x97: {  	s5 =	sld [smem:$0x3FFD];
	_ =	sdelay $0x3  }
0x98: {  	_ =	strace s5  }
0x99: {  	_ =	strace $0x8FFFFFFF  }
0x9a: {  	s20 =	sld [smem:$0x3FDB];
	_ =	sdelay $0x1  }
0x9b: {  	s6 =	simm.s32 $_scs_section_size  }
0x9c: {  	s7 =	simm.s32 $_size__tile_overlayer_lowered;
	s8 =	simm.s32 $_tile_overlayer_lowered  }
0x9d: {  	s23 =	simm.s32 $0x1BFF;
	s22 =	sshll.u32 s8, $0x1;
	s5 =	sadd.s32 s6, s20  }
0x9e: {  	s9 =	simm.s32 $0x0;
	s21 =	sshll.u32 s7, $0x1;
	s7 =	sadd.s32 s22, s5  }
0x9f: {  	[timem:s9], [sflag:s23] =	dma.local [hbm:s7], s21  }
0xa0: {  	_ =	swait.ge [sflag:s23], s21  }
0xa1: {  	s6 =	ssub.s32 $0x0, s21;
	[sflag:s23] =	ssyncset.done $0x0  }
0xa2: {  	[sflag:s23] =	ssyncadd.s32 s6;
	_ =	sdelay $0x1  }
0xa3: {  	s24 =	simm.s32 $0x1B8B  }
0xa4: {  	_ =	swait.ge [sflag:s24], $0x1  }
0xa5: {  	[sflag:s24] =	ssyncset.done $0x0  }
0xa6: {  	s25 =	simm.s32 $0x1B8E;
	[sflag:s24] =	ssyncadd.s32 $0xFFFFFFFF  }
0xa7: {  	s26 =	simm.s32 $execute0_lowered;
	[smem:$0x3FD2] =	sst s25  }
0xa8: {  	s6 =	sshll.u32 s26, $0x1;
	_ =	strace $0x80000046;
	[dreg:$0x1] =	wrdreg $0xFFFFFFFF  }
0xa9: {  	s28 =	simm.s32 $_size_execute0_lowered;
	s5 =	sadd.s32 s5, s6;
	[dreg:$0x0] =	wrdreg $0x0  }
0xaa: {  	s6 =	sshll.u32 s28, $0x1;
	[dreg:$0x2] =	wrdreg s5  }
0xab: {  	[dreg:$0x3] =	wrdreg s6  }
0xac: {  	[dreg:$0x4] =	wrdreg $0xC0  }
0xad: {  	_ =	task [dreg:s9], $0x5FFFF  }
0xae: {  	[dreg:$0x1] =	wrdreg $0xFFFFFFFF  }
0xaf: {  	[dreg:$0x0] =	wrdreg $0x60  }
0xb0: {  	[dreg:$0x2] =	wrdreg s2  }
0xb1: {  	[dreg:$0x3] =	wrdreg s19  }
0xb2: {  	[dreg:$0x4] =	wrdreg s4  }
0xb3: {  	[dreg:$0x5] =	wrdreg $0x18800  }
0xb4: {  	[dreg:$0x6] =	wrdreg $0x9  }
0xb5: {  	_ =	task.clear_ibuf [dreg:s9], $0x7FFFF;
	_ =	strace $0x90000046  }
0xb6: {  	s29 =	simm.s32 $0x9;
	_ =	strace $0x80000048  }
0xb7: {  	_ =	swait.ge [sflag:s29], $0x1  }
0xb8: {  	[sflag:s29] =	ssyncadd.s32 $0xFFFFFFFF  }
0xb9: {  	_ =	strace $0x90000048  }
0xba: {  	_ =	sfence  }
0xbb: {  	s30 =	sld [smem:$0x0];
	_ =	sdelay $0x2  }
0xbc: {  	s31 =	sshll.u32 s1, $0xD;
	s1 =	sshrl.u32 s1, $0x2  }
0xbd: {  	s3 =	sand.u32 $0x4000, s31;
	s1 =	sadd.s32 s1, s30  }
0xbe: {  	s0 =	sor.u32 s3, s0;
	s1 =	sshll.u32 s1, $0x11  }
0xbf: {  	s0 =	sor.u32 s1, s0  }
0xc0: {  	s0 =	sadd.s32 $0x8F2B, s0  }
0xc1: {  	[sflag:s0] =	ssyncadd.remote.s32 $0x1  }
0xc2: {  	_ =	sfence.sel $0xFFFF  }
0xc3: {  	[dreg:$0x0] =	wrdreg $0xFFFFFFFF;
	(pc) =	sbr.abs _section_cstart, $3  }
0xc4: {  	[dreg:$0x1] =	wrdreg $0xFFFFFFFF  }
0xc5: {  	_ =	task.clear_ibuf [dreg:s9], $0x2FFFF;
	_ =	strace $0x9FFFFFFF  }
0xc6: {  	(tm) =	ssettm $0x7FFFFFFF  }
0xc7: {  	_ =	shalt  }
tec
execute0_lowered:
.L_overlay_start_1:
0x0: {  	(tag) =	ssettag $0x1  }
0x1: {  	s9 =	stileid.u32  }
0x2: {  	p0 =	sgt.s32 s9, $0x1  }
0x3: {  	p1 =	seq.s32 @p0 s9, $0x2  }
0x4: {  	s0 =	rddreg [dreg:$0x0];
	p2 =	por !p1, !p0  }
0x5: {  	s1 =	rddreg [dreg:$0x1];
	s2 =	simm.s32 @!p2 $0x0  }
0x6: {  	s26 =	rddreg [dreg:$0x2];
	p1 =	por p1, !p0;
	s2 =	simm.s32 @p2 $0x1  }
0x7: {  	p2 =	seq.s32 @!p0 s9, $0x0;
	[smem:$0x7F1] =	sst s2;
	s2 =	simm.s32 @!p1 $0x0  }
0x8: {  	s4 =	simm.s32 $0x0;
	s2 =	simm.s32 @p1 $0x1;
	p1 =	por !p2, p0  }
0x9: {  	s5 =	srdreg.scid;
	[smem:$0x7F2] =	sst s2;
	s2 =	simm.s32 @!p1 $0x0  }
0xa: {  	p3 =	sgt.s32 s9, $0x5;
	p0 =	por p2, p0;
	s2 =	simm.s32 @p1 $0x1  }
0xb: {  	p1 =	seq.s32 @p3 s9, $0x6;
	[smem:$0x7F3] =	sst s2;
	s2 =	simm.s32 @!p0 $0x0  }
0xc: {  	[smem:$0x7FF] =	sst s4;
	s2 =	simm.s32 @p0 $0x1;
	p0 =	por !p1, !p3  }
0xd: {  	s5 =	sand.u32 $0x1, s5;
	[smem:$0x7F4] =	sst s2;
	s2 =	simm.s32 @!p0 $0x0  }
0xe: {  	s7 =	sshll.u32 s9, $0x8;
	p1 =	por p1, !p3;
	s2 =	simm.s32 @p0 $0x1  }
0xf: {  	p0 =	seq.s32 @!p3 s9, $0x4;
	[smem:$0x7F5] =	sst s2;
	s2 =	simm.s32 @!p1 $0x0  }
0x10: {  	s11 =	sadd.s32 $0x2AC4, s1;
	s2 =	simm.s32 @p1 $0x1;
	p1 =	por !p0, p3  }
0x11: {  	s13 =	sadd.s32 $0x27B6, s1;
	[smem:$0x7F6] =	sst s2;
	s2 =	simm.s32 @!p1 $0x0  }
0x12: {  	s15 =	sadd.s32 $0x24A8, s1;
	p0 =	por p0, p3;
	s2 =	simm.s32 @p1 $0x1  }
0x13: {  	p1 =	sgt.s32 s9, $0x9;
	[smem:$0x7F7] =	sst s2;
	s2 =	simm.s32 @!p0 $0x0  }
0x14: {  	s17 =	sadd.s32 $0x219A, s1;
	s2 =	simm.s32 @p0 $0x1;
	p0 =	seq.s32 @p1 s9, $0xA  }
0x15: {  	s19 =	sadd.s32 $0x1E8C, s1;
	s21 =	sadd.s32 $0x1B7E, s1;
	p2 =	por !p0, !p1  }
0x16: {  	s23 =	sadd.s32 $0x1870, s1;
	s25 =	sadd.s32 $0x1562, s1;
	s3 =	simm.s32 @!p2 $0x0  }
0x17: {  	s29 =	sadd.s32 $0xF46, s1;
	p0 =	por p0, !p1;
	s3 =	simm.s32 @p2 $0x1  }
0x18: {  	s31 =	sadd.s32 $0xC38, s1;
	[smem:$0x7F9] =	sst s3;
	s3 =	simm.s32 @!p0 $0x0  }
0x19: {  	s6 =	ssub.s32 $0x2, s5;
	[smem:$0x7F8] =	sst s2;
	s3 =	simm.s32 @p0 $0x1  }
0x1a: {  	s5 =	sshll.u32 s5, $0x7;
	s8 =	sshrl.u32 s6, $0x1;
	[smem:$0x7FA] =	sst s3  }
0x1b: {  	s6 =	ssub.s32 s6, s8;
	s8 =	sadd.s32 $0x2DD2, s1;
	s3 =	rddreg [dreg:$0x3]  }
0x1c: {  	p0 =	seq.s32 @!p1 s9, $0x8;
	_ =	strace $0x80000047;
	[dreg:$0x5] =	wrdreg s8  }
0x1d: {  	s7 =	sor.u32 s5, s7;
	p3 =	por !p0, p1;
	[dreg:$0x7] =	wrdreg s11  }
0x1e: {  	p4 =	por p0, p1;
	p1 =	sgt.s32 s9, $0xD;
	[dreg:$0x9] =	wrdreg s13  }
0x1f: {  	s5 =	sadd.s32 s0, s7;
	p0 =	seq.s32 @p1 s9, $0xE;
	[dreg:$0xb] =	wrdreg s15  }
0x20: {  	p2 =	seq.s32 @!p1 s9, $0xC;
	s10 =	sadd.s32 $0x16E90, s3;
	[dreg:$0xd] =	wrdreg s17  }
0x21: {  	s12 =	sadd.s32 $0x15620, s3;
	s14 =	sadd.s32 $0x13DB0, s3;
	[dreg:$0xf] =	wrdreg s19  }
0x22: {  	s16 =	sadd.s32 $0x12540, s3;
	s18 =	sadd.s32 $0x10CD0, s3;
	[dreg:$0x11] =	wrdreg s21  }
0x23: {  	s20 =	sadd.s32 $0xF460, s3;
	s22 =	sadd.s32 $0xDBF0, s3;
	[dreg:$0x13] =	wrdreg s23  }
0x24: {  	s24 =	sadd.s32 $0xC380, s3;
	[dreg:$0x15] =	wrdreg s25;
	s23 =	sadd.s32 s26, s7  }
0x25: {  	s26 =	sadd.s32 $0xAB10, s3;
	s25 =	smax.u32 s6, $0x1;
	[dreg:$0x6] =	wrdreg s10  }
0x26: {  	s28 =	sadd.s32 $0x92A0, s3;
	s30 =	sadd.s32 $0x7A30, s3;
	[dreg:$0x8] =	wrdreg s12  }
0x27: {  	s2 =	sadd.s32 $0x61C0, s3;
	s6 =	sadd.s32 $0x4950, s3;
	[dreg:$0xa] =	wrdreg s14  }
0x28: {  	s7 =	sadd.s32 $0x61C, s1;
	s8 =	sadd.s32 $0x30E0, s3;
	[dreg:$0xc] =	wrdreg s16  }
0x29: {  	s11 =	simm.s32 $0x400;
	s13 =	simm.s32 $0x30F0;
	[dreg:$0xe] =	wrdreg s18  }
0x2a: {  	s15 =	simm.s32 $0x80;
	p5 =	por !p0, !p1;
	[dreg:$0x10] =	wrdreg s20  }
0x2b: {  	p6 =	por p0, !p1;
	p0 =	por !p2, p1;
	[dreg:$0x12] =	wrdreg s22  }
0x2c: {  	p1 =	por p2, p1;
	[dreg:$0x14] =	wrdreg s24;
	p2 =	sgt.s32 s9, $0x7  }
0x2d: {  	s17 =	simm.s32 $0xF8F0;
	[dreg:$0x16] =	wrdreg s26;
	s0 =	simm.s32 @!p2 $0x0  }
0x2e: {  	s26 =	sadd.s32 $0x1254, s1;
	s0 =	simm.s32 @p2 $0x1;
	p2 =	sgt.s32 s9, $0x3  }
0x2f: {  	s10 =	sadd.s32 $0x1870, s3;
	[smem:$0x7FB] =	sst s0;
	s0 =	simm.s32 @!p2 $0x0  }
0x30: {  	s12 =	simm.s32 $0x8000;
	s0 =	simm.s32 @p2 $0x1;
	p2 =	sgt.s32 s9, $0xB  }
0x31: {  	s14 =	simm.s32 $0x3;
	[smem:$0x7FC] =	sst s0;
	s0 =	simm.s32 @!p2 $0x0  }
0x32: {  	s16 =	simm.s32 $0x2;
	s18 =	simm.s32 $0x4;
	s0 =	simm.s32 @p2 $0x1  }
0x33: {  	s9 =	sadd.s32 $0x30E, s1;
	[smem:$0x7FD] =	sst s0;
	s0 =	sadd.s32 $0x92A, s1  }
.LBB2_1:
0x34: {  	s19 =	sld [smem:$0x7FB];
	_ =	sdelay $0x2  }
0x35: {  	p2 =	seq.s32 s19, $0x1  }
.Ltmp0:
0x36: {  	_ = 	snop;
	(pc) =	sbr.rel @p2 .LBB2_5-.Ltmp0, $2  }
0x37: {  	_ =	sdelay $0x2  }
0x38: {  	[tilespmem:s13], [sflag:$0x3] =	stream.strided.gather [hbm4b:s5+s11], $0x6400, s12, s11, $0x38;
	[tilespmem:$0x1C0F0] =	vst v63  }
0x39: {  	s19 =	sld [smem:$0x7FC];
	_ =	sdelay $0x2  }
0x3a: {  	p2 =	seq.s32 s19, $0x1  }
.Ltmp1:
0x3b: {  	_ = 	snop;
	(pc) =	sbr.rel @p2 .LBB2_4-.Ltmp1, $1  }
0x3c: {  	_ =	sdelay $0x3  }
0x3d: {  	s19 =	sld [smem:$0x7F1];
	_ =	sdelay $0x2  }
0x3e: {  	p2 =	seq.s32 s19, $0x1  }
0x3f: {  	s19 =	simm.s32 @!p2 $0x0;
	s20 =	simm.s32 @!p2 $0x1  }
0x40: {  	[tilespmem:s19], [sflag:$0x1] =	stream.linear.gather @!p2 [hbm4b:s7+s19], $0x1870, $0x38;
	[tilespmem:$0x1C0F0] =	vst v63  }
0x41: {  	_ =	swait.ge @!p2 [sflag:s20], $0x1870  }
0x42: {  	[sflag:s20] =	ssyncset.done @!p2 $0x0  }
0x43: {  	[sflag:s20] =	ssyncadd.s32 @!p2 $0xFFFFE790  }
0x44: {  	[spmem:s8] =	stream.linear.scatter @!p2 [tilespmem:s19], [sflag:$0x1], $0x1870, $0x38;
	[tilespmem:$0x1C0F0] =	vst v63  }
0x45: {  	_ =	swait.ge @!p2 [sflag:s20], $0x1870  }
0x46: {  	s21 =	sld [smem:$0x7F2];
	_ =	sdelay $0x1  }
0x47: {  	[sflag:s20] =	ssyncset.done @!p2 $0x0  }
0x48: {  	[sflag:s20] =	ssyncadd.s32 @!p2 $0xFFFFE790;
	p2 =	seq.s32 s21, $0x1  }
0x49: {  	s19 =	simm.s32 @!p2 $0x0;
	s20 =	simm.s32 @!p2 $0x1  }
0x4a: {  	[tilespmem:s19], [sflag:$0x1] =	stream.linear.gather @!p2 [hbm4b:s0+s19], $0x1870, $0x38;
	[tilespmem:$0x1C0F0] =	vst v63  }
0x4b: {  	_ =	swait.ge @!p2 [sflag:s20], $0x1870  }
0x4c: {  	[sflag:s20] =	ssyncset.done @!p2 $0x0  }
0x4d: {  	[sflag:s20] =	ssyncadd.s32 @!p2 $0xFFFFE790  }
0x4e: {  	[spmem:s6] =	stream.linear.scatter @!p2 [tilespmem:s19], [sflag:$0x1], $0x1870, $0x38;
	[tilespmem:$0x1C0F0] =	vst v63  }
0x4f: {  	_ =	swait.ge @!p2 [sflag:s20], $0x1870  }
0x50: {  	s22 =	sld [smem:$0x7F3];
	_ =	sdelay $0x1  }
0x51: {  	[sflag:s20] =	ssyncset.done @!p2 $0x0  }
0x52: {  	[sflag:s20] =	ssyncadd.s32 @!p2 $0xFFFFE790;
	p2 =	seq.s32 s22, $0x1  }
0x53: {  	s19 =	simm.s32 @!p2 $0x0;
	s20 =	simm.s32 @!p2 $0x1  }
0x54: {  	[tilespmem:s19], [sflag:$0x1] =	stream.linear.gather @!p2 [hbm4b:s1+s19], $0x1870, $0x38;
	[tilespmem:$0x1C0F0] =	vst v63  }
0x55: {  	_ =	swait.ge @!p2 [sflag:s20], $0x1870  }
0x56: {  	[sflag:s20] =	ssyncset.done @!p2 $0x0  }
0x57: {  	[sflag:s20] =	ssyncadd.s32 @!p2 $0xFFFFE790  }
0x58: {  	[spmem:s3] =	stream.linear.scatter @!p2 [tilespmem:s19], [sflag:$0x1], $0x1870, $0x38;
	[tilespmem:$0x1C0F0] =	vst v63  }
0x59: {  	_ =	swait.ge @!p2 [sflag:s20], $0x1870  }
0x5a: {  	s24 =	sld [smem:$0x7F4];
	_ =	sdelay $0x1  }
0x5b: {  	[sflag:s20] =	ssyncset.done @!p2 $0x0  }
0x5c: {  	[sflag:s20] =	ssyncadd.s32 @!p2 $0xFFFFE790;
	p2 =	seq.s32 s24, $0x1  }
0x5d: {  	s19 =	simm.s32 @!p2 $0x0;
	s20 =	simm.s32 @!p2 $0x1  }
0x5e: {  	[tilespmem:s19], [sflag:$0x1] =	stream.linear.gather @!p2 [hbm4b:s9+s19], $0x1870, $0x38;
	[tilespmem:$0x1C0F0] =	vst v63  }
0x5f: {  	_ =	swait.ge @!p2 [sflag:s20], $0x1870  }
0x60: {  	[sflag:s20] =	ssyncset.done @!p2 $0x0  }
.Ltmp2:
0x61: {  	[sflag:s20] =	ssyncadd.s32 @!p2 $0xFFFFE790;
	(pc) =	sbr.rel .LBB2_8-.Ltmp2, $4  }
0x62: {  	[spmem:s10] =	stream.linear.scatter @!p2 [tilespmem:s19], [sflag:$0x1], $0x1870, $0x38;
	[tilespmem:$0x1C0F0] =	vst v63  }
0x63: {  	_ =	swait.ge @!p2 [sflag:s20], $0x1870  }
0x64: {  	[sflag:s20] =	ssyncset.done @!p2 $0x0  }
0x65: {  	[sflag:s20] =	ssyncadd.s32 @!p2 $0xFFFFE790  }
.LBB2_5:
0x66: {  	s19 =	sld [smem:$0x7FD];
	_ =	sdelay $0x2  }
0x67: {  	p2 =	seq.s32 s19, $0x1  }
.Ltmp3:
0x68: {  	_ = 	snop;
	(pc) =	sbr.rel @p2 .LBB2_7-.Ltmp3, $1  }
0x69: {  	_ =	sdelay $0x3  }
0x6a: {  	s19 =	sld [smem:$0x7F9];
	_ =	sdelay $0x2  }
0x6b: {  	p2 =	seq.s32 s19, $0x1  }
0x6c: {  	s20 =	rddreg [dreg:$0xf];
	s19 =	simm.s32 @!p2 $0x0  }
0x6d: {  	[tilespmem:s19], [sflag:$0x1] =	stream.linear.gather @!p2 [hbm4b:s20+s19], $0x1870, $0x38;
	[tilespmem:$0x1C0F0] =	vst v63  }
0x6e: {  	s20 =	simm.s32 @!p2 $0x1  }
0x6f: {  	_ =	swait.ge @!p2 [sflag:s20], $0x1870  }
0x70: {  	[sflag:s20] =	ssyncset.done @!p2 $0x0  }
0x71: {  	s21 =	rddreg [dreg:$0x10];
	[sflag:s20] =	ssyncadd.s32 @!p2 $0xFFFFE790  }
0x72: {  	[spmem:s21] =	stream.linear.scatter @!p2 [tilespmem:s19], [sflag:$0x1], $0x1870, $0x38;
	[tilespmem:$0x1C0F0] =	vst v63  }
0x73: {  	_ =	swait.ge @!p2 [sflag:s20], $0x1870  }
0x74: {  	s24 =	sld [smem:$0x7FA];
	_ =	sdelay $0x1  }
0x75: {  	[sflag:s20] =	ssyncset.done @!p2 $0x0  }
0x76: {  	[sflag:s20] =	ssyncadd.s32 @!p2 $0xFFFFE790;
	p2 =	seq.s32 s24, $0x1  }
0x77: {  	s20 =	rddreg [dreg:$0xd];
	s19 =	simm.s32 @!p2 $0x0  }
0x78: {  	[tilespmem:s19], [sflag:$0x1] =	stream.linear.gather @!p2 [hbm4b:s20+s19], $0x1870, $0x38;
	[tilespmem:$0x1C0F0] =	vst v63  }
0x79: {  	s20 =	simm.s32 @!p2 $0x1  }
0x7a: {  	_ =	swait.ge @!p2 [sflag:s20], $0x1870  }
0x7b: {  	[sflag:s20] =	ssyncset.done @!p2 $0x0  }
0x7c: {  	s21 =	rddreg [dreg:$0xe];
	[sflag:s20] =	ssyncadd.s32 @!p2 $0xFFFFE790  }
0x7d: {  	[spmem:s21] =	stream.linear.scatter @!p2 [tilespmem:s19], [sflag:$0x1], $0x1870, $0x38;
	[tilespmem:$0x1C0F0] =	vst v63  }
0x7e: {  	_ =	swait.ge @!p2 [sflag:s20], $0x1870  }
0x7f: {  	[sflag:s20] =	ssyncset.done @!p2 $0x0  }
0x80: {  	s19 =	simm.s32 @!p3 $0x0;
	[sflag:s20] =	ssyncadd.s32 @!p2 $0xFFFFE790;
	s20 =	rddreg [dreg:$0x13]  }
0x81: {  	[tilespmem:s19], [sflag:$0x1] =	stream.linear.gather @!p3 [hbm4b:s20+s19], $0x1870, $0x38;
	[tilespmem:$0x1C0F0] =	vst v63  }
0x82: {  	s20 =	simm.s32 @!p3 $0x1  }
0x83: {  	_ =	swait.ge @!p3 [sflag:s20], $0x1870  }
0x84: {  	[sflag:s20] =	ssyncset.done @!p3 $0x0  }
0x85: {  	s21 =	rddreg [dreg:$0x14];
	[sflag:s20] =	ssyncadd.s32 @!p3 $0xFFFFE790  }
0x86: {  	[spmem:s21] =	stream.linear.scatter @!p3 [tilespmem:s19], [sflag:$0x1], $0x1870, $0x38;
	[tilespmem:$0x1C0F0] =	vst v63  }
0x87: {  	_ =	swait.ge @!p3 [sflag:s20], $0x1870  }
0x88: {  	[sflag:s20] =	ssyncset.done @!p3 $0x0  }
0x89: {  	s19 =	simm.s32 @!p4 $0x0;
	[sflag:s20] =	ssyncadd.s32 @!p3 $0xFFFFE790;
	s20 =	rddreg [dreg:$0x11]  }
0x8a: {  	[tilespmem:s19], [sflag:$0x1] =	stream.linear.gather @!p4 [hbm4b:s20+s19], $0x1870, $0x38;
	[tilespmem:$0x1C0F0] =	vst v63  }
0x8b: {  	s20 =	simm.s32 @!p4 $0x1  }
0x8c: {  	_ =	swait.ge @!p4 [sflag:s20], $0x1870  }
0x8d: {  	[sflag:s20] =	ssyncset.done @!p4 $0x0  }
.Ltmp4:
0x8e: {  	s21 =	rddreg [dreg:$0x12];
	[sflag:s20] =	ssyncadd.s32 @!p4 $0xFFFFE790;
	(pc) =	sbr.rel .LBB2_8-.Ltmp4, $4  }
0x8f: {  	[spmem:s21] =	stream.linear.scatter @!p4 [tilespmem:s19], [sflag:$0x1], $0x1870, $0x38;
	[tilespmem:$0x1C0F0] =	vst v63  }
0x90: {  	_ =	swait.ge @!p4 [sflag:s20], $0x1870  }
0x91: {  	[sflag:s20] =	ssyncset.done @!p4 $0x0  }
0x92: {  	[sflag:s20] =	ssyncadd.s32 @!p4 $0xFFFFE790  }
.LBB2_4:
0x93: {  	s19 =	sld [smem:$0x7F5];
	_ =	sdelay $0x2  }
0x94: {  	p2 =	seq.s32 s19, $0x1  }
0x95: {  	s19 =	simm.s32 @!p2 $0x0;
	s20 =	simm.s32 @!p2 $0x1  }
0x96: {  	[tilespmem:s19], [sflag:$0x1] =	stream.linear.gather @!p2 [hbm4b:s26+s19], $0x1870, $0x38;
	[tilespmem:$0x1C0F0] =	vst v63  }
0x97: {  	_ =	swait.ge @!p2 [sflag:s20], $0x1870  }
0x98: {  	[sflag:s20] =	ssyncset.done @!p2 $0x0  }
0x99: {  	[sflag:s20] =	ssyncadd.s32 @!p2 $0xFFFFE790  }
0x9a: {  	[spmem:s28] =	stream.linear.scatter @!p2 [tilespmem:s19], [sflag:$0x1], $0x1870, $0x38;
	[tilespmem:$0x1C0F0] =	vst v63  }
0x9b: {  	_ =	swait.ge @!p2 [sflag:s20], $0x1870  }
0x9c: {  	s21 =	sld [smem:$0x7F6];
	_ =	sdelay $0x1  }
0x9d: {  	[sflag:s20] =	ssyncset.done @!p2 $0x0  }
0x9e: {  	[sflag:s20] =	ssyncadd.s32 @!p2 $0xFFFFE790;
	p2 =	seq.s32 s21, $0x1  }
0x9f: {  	s20 =	rddreg [dreg:$0x15];
	s19 =	simm.s32 @!p2 $0x0  }
0xa0: {  	[tilespmem:s19], [sflag:$0x1] =	stream.linear.gather @!p2 [hbm4b:s20+s19], $0x1870, $0x38;
	[tilespmem:$0x1C0F0] =	vst v63  }
0xa1: {  	s20 =	simm.s32 @!p2 $0x1  }
0xa2: {  	_ =	swait.ge @!p2 [sflag:s20], $0x1870  }
0xa3: {  	[sflag:s20] =	ssyncset.done @!p2 $0x0  }
0xa4: {  	s21 =	rddreg [dreg:$0x16];
	[sflag:s20] =	ssyncadd.s32 @!p2 $0xFFFFE790  }
0xa5: {  	[spmem:s21] =	stream.linear.scatter @!p2 [tilespmem:s19], [sflag:$0x1], $0x1870, $0x38;
	[tilespmem:$0x1C0F0] =	vst v63  }
0xa6: {  	_ =	swait.ge @!p2 [sflag:s20], $0x1870  }
0xa7: {  	s22 =	sld [smem:$0x7F7];
	_ =	sdelay $0x1  }
0xa8: {  	[sflag:s20] =	ssyncset.done @!p2 $0x0  }
0xa9: {  	[sflag:s20] =	ssyncadd.s32 @!p2 $0xFFFFE790;
	p2 =	seq.s32 s22, $0x1  }
0xaa: {  	s19 =	simm.s32 @!p2 $0x0;
	s20 =	simm.s32 @!p2 $0x1  }
0xab: {  	[tilespmem:s19], [sflag:$0x1] =	stream.linear.gather @!p2 [hbm4b:s31+s19], $0x1870, $0x38;
	[tilespmem:$0x1C0F0] =	vst v63  }
0xac: {  	_ =	swait.ge @!p2 [sflag:s20], $0x1870  }
0xad: {  	[sflag:s20] =	ssyncset.done @!p2 $0x0  }
0xae: {  	[sflag:s20] =	ssyncadd.s32 @!p2 $0xFFFFE790  }
0xaf: {  	[spmem:s2] =	stream.linear.scatter @!p2 [tilespmem:s19], [sflag:$0x1], $0x1870, $0x38;
	[tilespmem:$0x1C0F0] =	vst v63  }
0xb0: {  	_ =	swait.ge @!p2 [sflag:s20], $0x1870  }
0xb1: {  	s24 =	sld [smem:$0x7F8];
	_ =	sdelay $0x1  }
0xb2: {  	[sflag:s20] =	ssyncset.done @!p2 $0x0  }
0xb3: {  	[sflag:s20] =	ssyncadd.s32 @!p2 $0xFFFFE790;
	p2 =	seq.s32 s24, $0x1  }
0xb4: {  	s19 =	simm.s32 @!p2 $0x0;
	s20 =	simm.s32 @!p2 $0x1  }
0xb5: {  	[tilespmem:s19], [sflag:$0x1] =	stream.linear.gather @!p2 [hbm4b:s29+s19], $0x1870, $0x38;
	[tilespmem:$0x1C0F0] =	vst v63  }
0xb6: {  	_ =	swait.ge @!p2 [sflag:s20], $0x1870  }
0xb7: {  	[sflag:s20] =	ssyncset.done @!p2 $0x0  }
.Ltmp5:
0xb8: {  	[sflag:s20] =	ssyncadd.s32 @!p2 $0xFFFFE790;
	(pc) =	sbr.rel .LBB2_8-.Ltmp5, $4  }
0xb9: {  	[spmem:s30] =	stream.linear.scatter @!p2 [tilespmem:s19], [sflag:$0x1], $0x1870, $0x38;
	[tilespmem:$0x1C0F0] =	vst v63  }
0xba: {  	_ =	swait.ge @!p2 [sflag:s20], $0x1870  }
0xbb: {  	[sflag:s20] =	ssyncset.done @!p2 $0x0  }
0xbc: {  	[sflag:s20] =	ssyncadd.s32 @!p2 $0xFFFFE790  }
.LBB2_7:
0xbd: {  	s19 =	simm.s32 @!p5 $0x0;
	s20 =	rddreg [dreg:$0x7]  }
0xbe: {  	[tilespmem:s19], [sflag:$0x1] =	stream.linear.gather @!p5 [hbm4b:s20+s19], $0x1870, $0x38;
	[tilespmem:$0x1C0F0] =	vst v63  }
0xbf: {  	s20 =	simm.s32 @!p5 $0x1  }
0xc0: {  	_ =	swait.ge @!p5 [sflag:s20], $0x1870  }
0xc1: {  	[sflag:s20] =	ssyncset.done @!p5 $0x0  }
0xc2: {  	s21 =	rddreg [dreg:$0x8];
	[sflag:s20] =	ssyncadd.s32 @!p5 $0xFFFFE790  }
0xc3: {  	[spmem:s21] =	stream.linear.scatter @!p5 [tilespmem:s19], [sflag:$0x1], $0x1870, $0x38;
	[tilespmem:$0x1C0F0] =	vst v63  }
0xc4: {  	_ =	swait.ge @!p5 [sflag:s20], $0x1870  }
0xc5: {  	[sflag:s20] =	ssyncset.done @!p5 $0x0  }
0xc6: {  	s19 =	simm.s32 @!p6 $0x0;
	[sflag:s20] =	ssyncadd.s32 @!p5 $0xFFFFE790;
	s20 =	rddreg [dreg:$0x5]  }
0xc7: {  	[tilespmem:s19], [sflag:$0x1] =	stream.linear.gather @!p6 [hbm4b:s20+s19], $0x1810, $0x38;
	[tilespmem:$0x1C0F0] =	vst v63  }
0xc8: {  	s20 =	simm.s32 @!p6 $0x1  }
0xc9: {  	_ =	swait.ge @!p6 [sflag:s20], $0x1810  }
0xca: {  	[sflag:s20] =	ssyncset.done @!p6 $0x0  }
0xcb: {  	s21 =	rddreg [dreg:$0x6];
	[sflag:s20] =	ssyncadd.s32 @!p6 $0xFFFFE7F0  }
0xcc: {  	[spmem:s21] =	stream.linear.scatter @!p6 [tilespmem:s19], [sflag:$0x1], $0x1810, $0x38;
	[tilespmem:$0x1C0F0] =	vst v63  }
0xcd: {  	_ =	swait.ge @!p6 [sflag:s20], $0x1810  }
0xce: {  	[sflag:s20] =	ssyncset.done @!p6 $0x0  }
0xcf: {  	s19 =	simm.s32 @!p0 $0x0;
	[sflag:s20] =	ssyncadd.s32 @!p6 $0xFFFFE7F0;
	s20 =	rddreg [dreg:$0xb]  }
0xd0: {  	[tilespmem:s19], [sflag:$0x1] =	stream.linear.gather @!p0 [hbm4b:s20+s19], $0x1870, $0x38;
	[tilespmem:$0x1C0F0] =	vst v63  }
0xd1: {  	s20 =	simm.s32 @!p0 $0x1  }
0xd2: {  	_ =	swait.ge @!p0 [sflag:s20], $0x1870  }
0xd3: {  	[sflag:s20] =	ssyncset.done @!p0 $0x0  }
0xd4: {  	s21 =	rddreg [dreg:$0xc];
	[sflag:s20] =	ssyncadd.s32 @!p0 $0xFFFFE790  }
0xd5: {  	[spmem:s21] =	stream.linear.scatter @!p0 [tilespmem:s19], [sflag:$0x1], $0x1870, $0x38;
	[tilespmem:$0x1C0F0] =	vst v63  }
0xd6: {  	_ =	swait.ge @!p0 [sflag:s20], $0x1870  }
0xd7: {  	[sflag:s20] =	ssyncset.done @!p0 $0x0  }
0xd8: {  	s19 =	simm.s32 @!p1 $0x0;
	[sflag:s20] =	ssyncadd.s32 @!p0 $0xFFFFE790;
	s20 =	rddreg [dreg:$0x9]  }
0xd9: {  	[tilespmem:s19], [sflag:$0x1] =	stream.linear.gather @!p1 [hbm4b:s20+s19], $0x1870, $0x38;
	[tilespmem:$0x1C0F0] =	vst v63  }
0xda: {  	s20 =	simm.s32 @!p1 $0x1  }
0xdb: {  	_ =	swait.ge @!p1 [sflag:s20], $0x1870  }
0xdc: {  	[sflag:s20] =	ssyncset.done @!p1 $0x0  }
0xdd: {  	s21 =	rddreg [dreg:$0xa];
	[sflag:s20] =	ssyncadd.s32 @!p1 $0xFFFFE790  }
0xde: {  	[spmem:s21] =	stream.linear.scatter @!p1 [tilespmem:s19], [sflag:$0x1], $0x1870, $0x38;
	[tilespmem:$0x1C0F0] =	vst v63  }
0xdf: {  	_ =	swait.ge @!p1 [sflag:s20], $0x1870  }
0xe0: {  	[sflag:s20] =	ssyncset.done @!p1 $0x0  }
0xe1: {  	[sflag:s20] =	ssyncadd.s32 @!p1 $0xFFFFE790  }
.LBB2_8:
0xe2: {  	[bflag:$0x0] =	sbarrier.arrive $0xFFFF  }
0xe3: {  	_ =	swait.ge [sflag:s14], $0x6400  }
0xe4: {  	[sflag:s14] =	ssyncset.done $0x0  }
0xe5: {  	s19 =	simm.s32 $0xF8F0;
	s20 =	simm.s32 $0x30F0;
	[sflag:s14] =	ssyncadd.s32 $0xFFFF9C00  }
0xe6: {  	[tilespmem:s19], [sflag:$0x2] =	stream.indirect.gather [spmem:s3], $0x1, s20, s15, $0xb8;
	[tilespmem:$0x1C0F0] =	vst v63  }
0xe7: {  	s21 =	simm.s32 $0x3170;
	s20 =	simm.s32 $0xF970  }
0xe8: {  	[tilespmem:s20], [sflag:$0x2] =	stream.indirect.gather [spmem:s3], $0x1, s21, s15, $0xb8;
	[tilespmem:$0x1C0F0] =	vst v63  }
0xe9: {  	s22 =	simm.s32 $0xF9F0;
	s24 =	simm.s32 $0x31F0;
	s19 =	simm.s32 $0x0  }
0xea: {  	[tilespmem:s22], [sflag:$0x2] =	stream.indirect.gather [spmem:s3], $0x1, s24, s15, $0xb8;
	[tilespmem:$0x1C0F0] =	vst v63  }
0xeb: {  	s21 =	simm.s32 $0xFA70;
	s20 =	simm.s32 $0x800;
	s22 =	simm.s32 $0x3270  }
.LBB2_9:
0xec: {  	[tilespmem:s21], [sflag:$0x2] =	stream.indirect.gather [spmem:s3], $0x1, s22, s15, $0xb8;
	[tilespmem:$0x1C0F0] =	vst v63  }
0xed: {  	s22 =	sshra.s32 s20, $0x2;
	s19 =	sadd.s32 $0x4, s19  }
0xee: {  	s21 =	sadd.s32 $0xF8F0, s22;
	s24 =	sadd.s32 $0x30F0, s22;
	p2 =	slt.u32 s19, $0xC4  }
0xef: {  	[tilespmem:s21], [sflag:$0x2] =	stream.indirect.gather [spmem:s3], $0x1, s24, s15, $0xb8;
	[tilespmem:$0x1C0F0] =	vst v63  }
.Ltmp6:
0xf0: {  	s21 =	sadd.s32 $0xF970, s22;
	s24 =	sadd.s32 $0x3170, s22;
	(pc) =	sbr.rel @p2 .LBB2_9-.Ltmp6, $4  }
0xf1: {  	[tilespmem:s21], [sflag:$0x2] =	stream.indirect.gather [spmem:s3], $0x1, s24, s15, $0xb8;
	[tilespmem:$0x1C0F0] =	vst v63  }
0xf2: {  	s21 =	sadd.s32 $0xF9F0, s22;
	s24 =	sadd.s32 $0x31F0, s22  }
0xf3: {  	[tilespmem:s21], [sflag:$0x2] =	stream.indirect.gather [spmem:s3], $0x1, s24, s15, $0xb8;
	[tilespmem:$0x1C0F0] =	vst v63  }
0xf4: {  	s20 =	sadd.s32 $0x800, s20;
	s21 =	sadd.s32 $0xFA70, s22;
	s22 =	sadd.s32 $0x3270, s22  }
0xf5: {  	[tilespmem:s21], [sflag:$0x2] =	stream.indirect.gather [spmem:s3], $0x1, s22, s15, $0xb8;
	[tilespmem:$0x1C0F0] =	vst v63  }
0xf6: {  	s4 =	sadd.s32 $0x1, s4;
	_ =	swait.ge [sflag:s16], $0x6400  }
0xf7: {  	p2 =	sne.s32 s4, s25;
	[sflag:s16] =	ssyncset.done $0x0  }
.Ltmp7:
0xf8: {  	[sflag:s16] =	ssyncadd.s32 $0xFFFF9C00;
	(pc) =	sbr.rel @p2 .LBB2_1-.Ltmp7, $4  }
0xf9: {  	[hbm4b:s23+s11] =	stream.strided.scatter [tilespmem:s17], [sflag:$0x4], $0x6400, s12, s11, $0x38;
	[tilespmem:$0x1C0F0] =	vst v63  }
0xfa: {  	_ =	swait.ge [sflag:s18], $0x6400  }
0xfb: {  	[sflag:s18] =	ssyncset.done $0x0  }
0xfc: {  	[sflag:s18] =	ssyncadd.s32 $0xFFFF9C00  }
0xfd: {  	_ =	sfence.sel $0x180000  }
0xfe: {  	[bflag:$0x0] =	sbarrier.arrive $0xFFFF  }
0xff: {  	_ =	strace $0x90000047  }
0x100: {  	s0 =	stileid.u32;
	[bflag:$0x2] =	sbarrier.arrive $0xFFFF  }
0x101: {  	p0 =	sne.s32 s0, $0x0;
	s0 =	rddreg [dreg:$0x4]  }
0x102: {  	s0 =	sadd.s32 @!p0 $0x100000, s0  }
0x103: {  	[sflag:s0] =	ssyncadd.tile.s32 @!p0 $0x1;
	_ =	shalt  }
.Lfunc_end2:
_tile_overlayer_lowered:
.L_overlay_start_2:
0x104: {  	(tag) =	ssettag $0x2  }
0x105: {  	s0 =	rddreg [dreg:$0x0];
	s2 =	stileid.u32  }
0x106: {  	s1 =	rddreg [dreg:$0x1];
	p0 =	sne.s32 s2, $0x0  }
0x107: {  	s3 =	rddreg [dreg:$0x2];
	[bflag:$0x3] =	sbarrier.arrive $0xFFFF;
	s2 =	simm.s32 @!p0 $0x1C05  }
0x108: {  	[timem:s3], [sflag:s2] =	dma.local @!p0 [hbm:s0], s1  }
0x109: {  	s0 =	simm.s32 @!p0 $0x5  }
0x10a: {  	_ =	swait.ge @!p0 [sflag:s0], s1  }
0x10b: {  	s1 =	ssub.s32 @!p0 $0x0, s1;
	[sflag:s0] =	ssyncset.done @!p0 $0x0  }
0x10c: {  	[sflag:s0] =	ssyncadd.s32 @!p0 s1  }
0x10d: {  	[bflag:$0x3] =	sbarrier.arrive $0xFFFF  }
0x10e: {  	_ =	shalt  }

</sc_bundles>
